<compile_context>
chip_gen: v7x
topology: tpu7x:2x2x1
jax: 0.10.2.dev20260603
libtpu: 0.0.44.dev20260713+nightly
codegen_flags: <defaults>
</compile_context>

<pallas_src>
import functools

import jax
import jax.numpy as jnp
from jax import lax
from jax.experimental import pallas as pl
from jax.experimental.pallas import tpu as pltpu
from jax.experimental.pallas import tpu_sc as plsc

B, C, T = 4, 256, 2048
TT = 128
K = 6
F32 = jnp.float32
I32 = jnp.int32

_NC = 2
_NS = 16
_CHUNK = (B * T) // (_NC * _NS)
_CPB = T // _CHUNK


def _prep_body(x_ref, D_ref, te_ref, Wtd_ref, P_ref,
               stats_ref, tf_ref, t2_ref):
    b = pl.program_id(0)
    xb = x_ref[0]
    zcol = jnp.zeros((C, 1), F32)
    xpad = jnp.concatenate([zcol, xb, zcol], axis=1)
    acc = None
    for s in range(3):
        d = lax.dot_general(D_ref[s], xpad[:, s:s + T],
                            (((1,), (0,)), ((), ())), preferred_element_type=F32)
        acc = d if acc is None else acc + d
    y = acc + P_ref[2][:, None]

    @pl.when(b == 0)
    def _():
        stats_ref[...] = jnp.zeros_like(stats_ref)

    stats_ref[0, :] += jnp.sum(y, axis=1)
    stats_ref[1, :] += jnp.sum(y * y, axis=1)

    te = te_ref[...]
    yts = []
    ts1 = jnp.zeros((C,), F32)
    ts2 = jnp.zeros((C,), F32)
    for bb in range(B):
        yt = lax.dot_general(Wtd_ref[...], te[bb],
                             (((1,), (1,)), ((), ())), preferred_element_type=F32)
        yt = yt + P_ref[5][:, None]
        yts.append(yt)
        ts1 = ts1 + jnp.sum(yt, axis=1)
        ts2 = ts2 + jnp.sum(yt * yt, axis=1)
    nmt = float(B * TT)
    meant = ts1 / nmt
    vart = ts2 / nmt - meant * meant
    scalet = P_ref[6] * lax.rsqrt(vart + 1e-5)
    shiftt = P_ref[7] - meant * scalet
    for bb in range(B):
        tf = jnp.maximum(yts[bb] * scalet[:, None] + shiftt[:, None], 0.0)
        tf_ref[bb] = tf
        t2_ref[bb] = jnp.broadcast_to(jnp.sum(tf * tf, axis=0)[None, :], (8, TT))


def _scores_t(xc, tf, t2):
    crossT = lax.dot_general(tf, xc, (((0,), (0,)), ((), ())),
                             preferred_element_type=F32)
    x2 = jnp.sum(xc * xc, axis=0)
    return 2.0 * crossT - x2[None, :] - t2[:, None]


def _stage_a_body(x_ref, D_ref, stats_ref, P_ref, tf_ref, t2_ref,
                  xn_ref, sc_ref):
    xb = x_ref[0]
    zcol = jnp.zeros((C, 1), F32)
    xpad = jnp.concatenate([zcol, xb, zcol], axis=1)
    acc = None
    for s in range(3):
        d = lax.dot_general(D_ref[s], xpad[:, s:s + T],
                            (((1,), (0,)), ((), ())), preferred_element_type=F32)
        acc = d if acc is None else acc + d
    y = acc + P_ref[2][:, None]
    n = float(B * T)
    mean = stats_ref[0] / n
    var = stats_ref[1] / n - mean * mean
    scale = P_ref[0] * lax.rsqrt(var + 1e-5)
    shift = P_ref[1] - mean * scale
    xn = jnp.maximum(y * scale[:, None] + shift[:, None], 0.0)
    xn_ref[0] = xn
    sc_ref[0] = _scores_t(xn, tf_ref[0], t2_ref[0, 0, :])


def _gcn_combine(xc, idx, tf, A, Wd, bg):
    iota = lax.broadcasted_iota(I32, (T, TT), 1)
    agg = jnp.full((C // 2, T), -jnp.inf, F32)
    for k in range(K):
        oh = (iota == idx[k][:, None]).astype(F32)
        nbr = lax.dot_general(tf, oh, (((1,), (1,)), ((), ())),
                              preferred_element_type=F32,
                              precision=lax.Precision.HIGHEST)
        v = lax.dot_general(Wd, nbr - xc, (((1,), (0,)), ((), ())),
                            preferred_element_type=F32)
        agg = jnp.maximum(agg, v)
    lo = lax.dot_general(A, xc, (((1,), (0,)), ((), ())),
                         preferred_element_type=F32) + bg[:128][:, None]
    hi = agg + bg[128:][:, None]
    return jnp.maximum(xc + jnp.concatenate([lo, hi], axis=0), 0.0)


def _stage_b_body(xn_ref, idx_ref, tf_ref, t2_ref, A1_ref, Wd1_ref, P_ref,
                  x1_ref, sc_ref):
    x1 = _gcn_combine(xn_ref[0], idx_ref[0], tf_ref[0],
                      A1_ref[...], Wd1_ref[...], P_ref[3])
    x1_ref[0] = x1
    sc_ref[0] = _scores_t(x1, tf_ref[0], t2_ref[0, 0, :])


def _stage_c_body(x_ref, x1_ref, idx_ref, tf_ref, A2_ref, Wd2_ref, P_ref,
                  out_ref):
    xg = _gcn_combine(x1_ref[0], idx_ref[0], tf_ref[0],
                      A2_ref[...], Wd2_ref[...], P_ref[4])
    out_ref[0] = xg + x_ref[0]


def _sc_topk_body(sc_hbm, out_hbm, sv, ov):
    wid = lax.axis_index("s") * _NC + lax.axis_index("c")
    b = wid // _CPB
    base = (wid % _CPB) * _CHUNK
    pltpu.sync_copy(sc_hbm.at[b, :, pl.ds(base, _CHUNK)], sv)

    neg_inf = jnp.full((16,), -jnp.inf, F32)
    zero_i = jnp.zeros((16,), I32)

    def group_body(g, carry_g):
        def topic_body(s, carry):
            ms = list(carry[:K])
            ids = list(carry[K:])
            tv = sv[s, pl.ds(g * 16, 16)]
            ti = jnp.full((16,), s, I32)
            for j in range(K):
                gt = tv > ms[j]
                nm = jnp.where(gt, tv, ms[j])
                ni = jnp.where(gt, ti, ids[j])
                tv = jnp.where(gt, ms[j], tv)
                ti = jnp.where(gt, ids[j], ti)
                ms[j] = nm
                ids[j] = ni
            return tuple(ms) + tuple(ids)

        init = tuple([neg_inf] * K) + tuple([zero_i] * K)
        fin = lax.fori_loop(0, TT, topic_body, init)
        for k in range(K):
            ov[k, pl.ds(g * 16, 16)] = fin[K + k]
        ov[K, pl.ds(g * 16, 16)] = zero_i
        ov[K + 1, pl.ds(g * 16, 16)] = zero_i
        return carry_g

    lax.fori_loop(0, _CHUNK // 16, group_body, 0)
    pltpu.sync_copy(ov, out_hbm.at[b, :, pl.ds(base, _CHUNK)])


_sc_topk = functools.partial(
    pl.kernel,
    mesh=plsc.VectorSubcoreMesh(core_axis_name="c", subcore_axis_name="s"),
    out_type=jax.ShapeDtypeStruct((B, 8, T), I32),
    scratch_types=[
        pltpu.VMEM((TT, _CHUNK), F32),
        pltpu.VMEM((8, _CHUNK), I32),
    ],
)(_sc_topk_body)


def _const(shape):
    nd = len(shape)
    return pl.BlockSpec(shape, lambda b: (0,) * nd)


def _perb(shape):
    nd = len(shape)
    return pl.BlockSpec((1,) + shape[1:], lambda b: (b,) + (0,) * (nd - 1))


def kernel(snip_features, topic_embedding, W1, b1, gamma1, beta1,
           Wt, bt, gammat, betat, Wg1, bg1, Wg2, bg2):
    eye4 = jnp.eye(4, dtype=F32)
    eye16 = jnp.eye(16, dtype=F32)
    W1r = W1.reshape(4, 64, 64, 3)
    D = jnp.einsum('gois,gh->sgohi', W1r, eye4).reshape(3, C, C)
    Wtd = jnp.einsum('goi,gh->gohi', Wt[:, :, 0].reshape(4, 64, 4), eye4).reshape(C, 16)
    A1 = jnp.einsum('gdc,gh->gdhc', Wg1[:16], eye16).reshape(C // 2, C)
    Wd1 = jnp.einsum('gdc,gh->gdhc', Wg1[16:], eye16).reshape(C // 2, C)
    A2 = jnp.einsum('gdc,gh->gdhc', Wg2[:16], eye16).reshape(C // 2, C)
    Wd2 = jnp.einsum('gdc,gh->gdhc', Wg2[16:], eye16).reshape(C // 2, C)
    P = jnp.stack([gamma1, beta1, b1, bg1, bg2, bt, gammat, betat])

    stats, tfa, t2 = pl.pallas_call(
        _prep_body,
        grid=(B,),
        in_specs=[
            _perb((B, C, T)),
            _const((3, C, C)),
            _const((B, TT, 16)),
            _const((C, 16)),
            _const((8, C)),
        ],
        out_specs=[
            _const((8, C)),
            _const((B, C, TT)),
            _const((B, 8, TT)),
        ],
        out_shape=[
            jax.ShapeDtypeStruct((8, C), F32),
            jax.ShapeDtypeStruct((B, C, TT), F32),
            jax.ShapeDtypeStruct((B, 8, TT), F32),
        ],
    )(snip_features, D, topic_embedding, Wtd, P)

    xn, sc1 = pl.pallas_call(
        _stage_a_body,
        grid=(B,),
        in_specs=[
            _perb((B, C, T)),
            _const((3, C, C)),
            _const((8, C)),
            _const((8, C)),
            _perb((B, C, TT)),
            _perb((B, 8, TT)),
        ],
        out_specs=[_perb((B, C, T)), _perb((B, TT, T))],
        out_shape=[
            jax.ShapeDtypeStruct((B, C, T), F32),
            jax.ShapeDtypeStruct((B, TT, T), F32),
        ],
    )(snip_features, D, stats, P, tfa, t2)

    idx1 = _sc_topk(sc1)

    x1, sc2 = pl.pallas_call(
        _stage_b_body,
        grid=(B,),
        in_specs=[
            _perb((B, C, T)),
            _perb((B, 8, T)),
            _perb((B, C, TT)),
            _perb((B, 8, TT)),
            _const((C // 2, C)),
            _const((C // 2, C)),
            _const((8, C)),
        ],
        out_specs=[_perb((B, C, T)), _perb((B, TT, T))],
        out_shape=[
            jax.ShapeDtypeStruct((B, C, T), F32),
            jax.ShapeDtypeStruct((B, TT, T), F32),
        ],
    )(xn, idx1, tfa, t2, A1, Wd1, P)

    idx2 = _sc_topk(sc2)

    out = pl.pallas_call(
        _stage_c_body,
        grid=(B,),
        in_specs=[
            _perb((B, C, T)),
            _perb((B, C, T)),
            _perb((B, 8, T)),
            _perb((B, C, TT)),
            _const((C // 2, C)),
            _const((C // 2, C)),
            _const((8, C)),
        ],
        out_specs=_perb((B, C, T)),
        out_shape=jax.ShapeDtypeStruct((B, C, T), F32),
    )(snip_features, x1, idx2, tfa, A2, Wd2, P)
    return out

# --- scband reference (transcript-rebuilt; emitter-appended) ---
"""Pipeline reference for scband-snippet-shot-query-gcn-31430570672681 (READ-ONLY COPY).

The authoritative reference and input builder live on the scoring server;
editing this copy changes nothing except your own understanding.
"""

import jax, jax.numpy as jnp
import numpy as np

B, C, T = 4, 256, 2048
TT, TOPIC_DIM = 128, 16
K, GCN_GROUPS, CONV_GROUPS = 6, 32, 4


def conv1d_grouped(x, W, b, groups, pad):
    out = jax.lax.conv_general_dilated(
        x, W, window_strides=(1,), padding=[(pad, pad)],
        dimension_numbers=("NCH", "OIH", "NCH"), feature_group_count=groups)
    return out + b[None, :, None]


def batchnorm1d(x, gamma, beta):
    mean = jnp.mean(x, axis=(0, 2), keepdims=True)
    var = jnp.var(x, axis=(0, 2), keepdims=True)
    xn = (x - mean) / jnp.sqrt(var + 1e-5)
    return xn * gamma[None, :, None] + beta[None, :, None]


def ego_partite_gcnext(x, topic, W, b):
    # x: [B, C, T] snippet nodes; topic: [B, C, Tt] topic nodes (partite graph)
    Bb, Cc, Tn = x.shape
    x2 = jnp.sum(x * x, axis=1)          # [B, T]
    t2 = jnp.sum(topic * topic, axis=1)  # [B, Tt]
    cross = jnp.einsum("bct,bcs->bts", x, topic)
    dist = x2[:, :, None] - 2.0 * cross + t2[:, None, :]   # [B, T, Tt]
    _, idx = jax.lax.top_k(-dist, K)                        # [B, T, K]
    topic_t = jnp.transpose(topic, (0, 2, 1))               # [B, Tt, C]
    nbr = jnp.take_along_axis(topic_t[:, None, :, :], idx[..., None], axis=2)  # [B, T, K, C]
    x_t = jnp.transpose(x, (0, 2, 1))[:, :, None, :]        # [B, T, 1, C]
    edge = jnp.concatenate([jnp.broadcast_to(x_t, nbr.shape), nbr - x_t], axis=-1)  # [B, T, K, 2C]
    g = GCN_GROUPS
    eg = edge.reshape(Bb, Tn, K, g, 2 * Cc // g)
    msg = jnp.einsum("btkgc,gdc->btkgd", eg, W).reshape(Bb, Tn, K, Cc) + b
    agg = jnp.max(msg, axis=2)                              # [B, T, C]
    return jax.nn.relu(x + jnp.transpose(agg, (0, 2, 1)))


def setup_inputs(seed: int = 0):
    key = jax.random.key(seed)
    ks = jax.random.split(key, 10)
    inp = {}
    inp["snip_features"] = jax.random.normal(ks[0], (B, C, T), jnp.float32)
    inp["topic_embedding"] = jax.random.normal(ks[1], (B, TT, TOPIC_DIM), jnp.float32)
    # backbone1: Conv1d(C, C, k=3, pad=1, groups=4) + BN
    fan1 = (C // CONV_GROUPS) * 3
    inp["W1"] = jax.random.normal(ks[2], (C, C // CONV_GROUPS, 3), jnp.float32) * (2.0 / fan1) ** 0.5
    inp["b1"] = jnp.zeros((C,), jnp.float32)
    inp["gamma1"] = jnp.ones((C,), jnp.float32)
    inp["beta1"] = jnp.zeros((C,), jnp.float32)
    # backbone_topic: Conv1d(topic_dim, C, k=1, groups=4) + BN
    fant = TOPIC_DIM // CONV_GROUPS
    inp["Wt"] = jax.random.normal(ks[3], (C, TOPIC_DIM // CONV_GROUPS, 1), jnp.float32) * (2.0 / fant) ** 0.5
    inp["bt"] = jnp.zeros((C,), jnp.float32)
    inp["gammat"] = jnp.ones((C,), jnp.float32)
    inp["betat"] = jnp.zeros((C,), jnp.float32)
    # grouped edge-conv weights for the two EgoPartiteGNeXtC blocks
    fang = 2 * C // GCN_GROUPS
    inp["Wg1"] = jax.random.normal(ks[4], (GCN_GROUPS, C // GCN_GROUPS, 2 * C // GCN_GROUPS), jnp.float32) * (2.0 / fang) ** 0.5
    inp["bg1"] = jnp.zeros((C,), jnp.float32)
    inp["Wg2"] = jax.random.normal(ks[5], (GCN_GROUPS, C // GCN_GROUPS, 2 * C // GCN_GROUPS), jnp.float32) * (2.0 / fang) ** 0.5
    inp["bg2"] = jnp.zeros((C,), jnp.float32)
    return inp


def reference(snip_features, topic_embedding, W1, b1, gamma1, beta1, Wt, bt, gammat, betat, Wg1, bg1, Wg2, bg2):
    identity = snip_features
    topic = jnp.transpose(topic_embedding, (0, 2, 1))  # [B, topic_dim, Tt]
    base = jax.nn.relu(batchnorm1d(conv1d_grouped(snip_features, W1, b1, CONV_GROUPS, 1), gamma1, beta1))
    topic_f = jax.nn.relu(batchnorm1d(conv1d_grouped(topic, Wt, bt, CONV_GROUPS, 0), gammat, betat))
    base = ego_partite_gcnext(base, topic_f, Wg1, bg1)
    gcnext_feature = ego_partite_gcnext(base, topic_f, Wg2, bg2)
    return gcnext_feature + identity

if __name__ == "__main__":
    import jax
    _d = setup_inputs()
    print(jax.jit(kernel)(*tuple(_d.values())))

</pallas_src>

<mosaic_0001>
#map = affine_map<(d0, d1) -> (0, 0, 0)>
module attributes {stable_mosaic.version = 14 : i64} {
  func.func @_sc_topk_body(%arg0: i32, %arg1: i32, %arg2: memref<4x128x2048xf32, #tpu.memory_space<hbm>>, %arg3: memref<4x8x2048xi32, #tpu.memory_space<hbm>>, %arg4: memref<128x256xf32, #tpu.memory_space<vmem>>, %arg5: memref<8x256xi32, #tpu.memory_space<vmem>>) attributes {dimension_semantics = [#tpu.dimension_semantics<core_parallel>, #tpu.dimension_semantics<subcore_parallel>], iteration_bounds = array<i64: 2, 16>, scalar_prefetch = 0 : i64, scratch_operands = 2 : i64, tpu.core_type = #tpu.core_type<sc_vector_subcore>, window_params = [{transform_indices = #map}, {transform_indices = #map}]} {
    %mul3A = arith.constant 2 : i32
    %mul3A_0 = arith.muli %arg1, %mul3A : i32
    %add3A = arith.addi %mul3A_0, %arg0 : i32
    %jit3A = arith.constant 8 : i32
    %div3A = arith.divsi %add3A, %jit3A : i32
    %sign3A = arith.constant 0 : i32
    %sign3A_1 = arith.cmpi sgt, %add3A, %sign3A : i32
    %sign3A_2 = arith.extui %sign3A_1 : i1 to i32
    %sign3A_3 = arith.constant 0 : i32
    %sign3A_4 = arith.cmpi slt, %add3A, %sign3A_3 : i32
    %sign3A_5 = arith.extui %sign3A_4 : i1 to i32
    %sign3A_6 = arith.subi %sign3A_2, %sign3A_5 : i32
    %sign3A_7 = arith.constant 0 : i32
    %sign3A_8 = arith.cmpi sgt, %jit3A, %sign3A_7 : i32
    %sign3A_9 = arith.extui %sign3A_8 : i1 to i32
    %sign3A_10 = arith.constant 0 : i32
    %sign3A_11 = arith.cmpi slt, %jit3A, %sign3A_10 : i32
    %sign3A_12 = arith.extui %sign3A_11 : i1 to i32
    %sign3A_13 = arith.subi %sign3A_9, %sign3A_12 : i32
    %ne3A = arith.cmpi ne, %sign3A_6, %sign3A_13 : i32
    %rem3A = arith.remsi %add3A, %jit3A : i32
    %ne3A_14 = arith.constant 0 : i32
    %ne3A_15 = arith.cmpi ne, %rem3A, %ne3A_14 : i32
    %and3A = arith.andi %ne3A, %ne3A_15 : i1
    %sub3A = arith.constant 1 : i32
    %sub3A_16 = arith.subi %div3A, %sub3A : i32
    %select_n3A = arith.select %and3A, %sub3A_16, %div3A : i32
    %jit3A_17 = arith.constant 8 : i32
    %eq3A = arith.constant 0 : i32
    %eq3A_18 = arith.cmpi eq, %jit3A_17, %eq3A : i32
    %jit3A_19 = arith.constant 1 : i32
    %select_n3A_20 = arith.select %eq3A_18, %jit3A_19, %jit3A_17 : i32
    %rem3A_21 = arith.remsi %add3A, %select_n3A_20 : i32
    %ne3A_22 = arith.constant 0 : i32
    %ne3A_23 = arith.cmpi ne, %rem3A_21, %ne3A_22 : i32
    %lt3A = arith.constant 0 : i32
    %lt3A_24 = arith.cmpi slt, %rem3A_21, %lt3A : i32
    %lt3A_25 = arith.constant 0 : i32
    %lt3A_26 = arith.cmpi slt, %select_n3A_20, %lt3A_25 : i32
    %ne3A_27 = arith.xori %lt3A_24, %lt3A_26 : i1
    %and3A_28 = arith.andi %ne3A_27, %ne3A_23 : i1
    %add3A_29 = arith.addi %rem3A_21, %select_n3A_20 : i32
    %select_n3A_30 = arith.select %and3A_28, %add3A_29, %rem3A_21 : i32
    %mul3A_31 = arith.constant 256 : i32
    %mul3A_32 = arith.muli %select_n3A_30, %mul3A_31 : i32
    "tpu.region"() ({
      %run_scoped3A = tpu.sem_alloc : memref<!tpu.dma_semaphore, #tpu.memory_space<semaphore_mem>>
      %dma_start3A = arith.constant 0 : i32
      %dma_start3A_41 = tpu.memref_slice %arg2[%select_n3A, %dma_start3A, %mul3A_32] : memref<4x128x2048xf32, #tpu.memory_space<hbm>> -> memref<1x128x256xf32, #tpu.memory_space<hbm>>
      %dma_start3A_42 = tpu.memref_squeeze %dma_start3A_41 : memref<1x128x256xf32, #tpu.memory_space<hbm>> -> memref<128x256xf32, #tpu.memory_space<hbm>>
      %dma_start3A_43 = arith.constant 0 : i32
      %dma_start3A_44 = tpu.memref_slice %arg2[%select_n3A, %dma_start3A_43, %mul3A_32] : memref<4x128x2048xf32, #tpu.memory_space<hbm>> -> memref<1x128x256xf32, #tpu.memory_space<hbm>>
      %dma_start3A_45 = tpu.memref_squeeze %dma_start3A_44 : memref<1x128x256xf32, #tpu.memory_space<hbm>> -> memref<128x256xf32, #tpu.memory_space<hbm>>
      tpu.enqueue_dma source(%dma_start3A_45 : memref<128x256xf32, #tpu.memory_space<hbm>>) target(%arg4 : memref<128x256xf32, #tpu.memory_space<vmem>>) target_semaphore(%run_scoped3A : memref<!tpu.dma_semaphore, #tpu.memory_space<semaphore_mem>>)
      %dma_wait3A = arith.constant 0 : i32
      %dma_wait3A_46 = tpu.memref_slice %arg2[%select_n3A, %dma_wait3A, %mul3A_32] : memref<4x128x2048xf32, #tpu.memory_space<hbm>> -> memref<1x128x256xf32, #tpu.memory_space<hbm>>
      %dma_wait3A_47 = tpu.memref_squeeze %dma_wait3A_46 : memref<1x128x256xf32, #tpu.memory_space<hbm>> -> memref<128x256xf32, #tpu.memory_space<hbm>>
      %dma_wait3A_48 = arith.constant 0 : i32
      %dma_wait3A_49 = tpu.memref_slice %arg2[%select_n3A, %dma_wait3A_48, %mul3A_32] : memref<4x128x2048xf32, #tpu.memory_space<hbm>> -> memref<1x128x256xf32, #tpu.memory_space<hbm>>
      %dma_wait3A_50 = tpu.memref_squeeze %dma_wait3A_49 : memref<1x128x256xf32, #tpu.memory_space<hbm>> -> memref<128x256xf32, #tpu.memory_space<hbm>>
      tpu.wait_dma2 semaphore(%run_scoped3A : memref<!tpu.dma_semaphore, #tpu.memory_space<semaphore_mem>>) src(%dma_wait3A_50 : memref<128x256xf32, #tpu.memory_space<hbm>>) dst(%arg4 : memref<128x256xf32, #tpu.memory_space<vmem>>)
      tpu.yield
    }) : () -> ()
    %broadcast_in_dim3A = arith.constant 0xFF800000 : f32
    %broadcast_in_dim3A_33 = vector.broadcast %broadcast_in_dim3A : f32 to vector<16xf32>
    %broadcast_in_dim3A_34 = arith.constant 0 : i32
    %broadcast_in_dim3A_35 = vector.broadcast %broadcast_in_dim3A_34 : i32 to vector<16xi32>
    %scan3A = arith.constant 0 : i32
    %scan3A_36 = arith.constant 0 : i32
    %scan3A_37 = arith.constant 16 : i32
    %scan3A_38 = arith.addi %scan3A_36, %scan3A_37 : i32
    %scan3A_39 = arith.constant 1 : i32
    scf.for %scan3A_41 = %scan3A_36 to %scan3A_38 step %scan3A_39  : i32 {
      %scan3A_42 = arith.constant 0 : i32
      %scan3A_43 = arith.constant 128 : i32
      %scan3A_44 = arith.addi %scan3A_42, %scan3A_43 : i32
      %scan3A_45 = arith.constant 1 : i32
      %scan3A_46:12 = scf.for %scan3A_111 = %scan3A_42 to %scan3A_44 step %scan3A_45 iter_args(%scan3A_112 = %broadcast_in_dim3A_33, %scan3A_113 = %broadcast_in_dim3A_33, %scan3A_114 = %broadcast_in_dim3A_33, %scan3A_115 = %broadcast_in_dim3A_33, %scan3A_116 = %broadcast_in_dim3A_33, %scan3A_117 = %broadcast_in_dim3A_33, %scan3A_118 = %broadcast_in_dim3A_35, %scan3A_119 = %broadcast_in_dim3A_35, %scan3A_120 = %broadcast_in_dim3A_35, %scan3A_121 = %broadcast_in_dim3A_35, %scan3A_122 = %broadcast_in_dim3A_35, %scan3A_123 = %broadcast_in_dim3A_35) -> (vector<16xf32>, vector<16xf32>, vector<16xf32>, vector<16xf32>, vector<16xf32>, vector<16xf32>, vector<16xi32>, vector<16xi32>, vector<16xi32>, vector<16xi32>, vector<16xi32>, vector<16xi32>)  : i32 {
        %mul3A_124 = arith.constant 16 : i32
        %mul3A_125 = arith.muli %scan3A_41, %mul3A_124 : i32
        %get3A = arith.index_cast %scan3A_111 : i32 to index
        %get3A_126 = arith.index_cast %mul3A_125 : i32 to index
        %get3A_127 = tpu.vector_load %arg4[%get3A, %get3A_126] {strides = array<i32>} : memref<128x256xf32, #tpu.memory_space<vmem>>, vector<1x16xf32>,
        %get3A_128 = vector.shape_cast %get3A_127 : vector<1x16xf32> to vector<16xf32>
        %broadcast_in_dim3A_129 = vector.broadcast %scan3A_111 : i32 to vector<16xi32>
        %gt3A = arith.cmpf ogt, %get3A_128, %scan3A_112 : vector<16xf32>
        %select_n3A_130 = arith.select %gt3A, %get3A_128, %scan3A_112 : vector<16xi1>, vector<16xf32>
        %select_n3A_131 = arith.select %gt3A, %broadcast_in_dim3A_129, %scan3A_118 : vector<16xi1>, vector<16xi32>
        %select_n3A_132 = arith.select %gt3A, %scan3A_112, %get3A_128 : vector<16xi1>, vector<16xf32>
        %select_n3A_133 = arith.select %gt3A, %scan3A_118, %broadcast_in_dim3A_129 : vector<16xi1>, vector<16xi32>
        %gt3A_134 = arith.cmpf ogt, %select_n3A_132, %scan3A_113 : vector<16xf32>
        %select_n3A_135 = arith.select %gt3A_134, %select_n3A_132, %scan3A_113 : vector<16xi1>, vector<16xf32>
        %select_n3A_136 = arith.select %gt3A_134, %select_n3A_133, %scan3A_119 : vector<16xi1>, vector<16xi32>
        %select_n3A_137 = arith.select %gt3A_134, %scan3A_113, %select_n3A_132 : vector<16xi1>, vector<16xf32>
        %select_n3A_138 = arith.select %gt3A_134, %scan3A_119, %select_n3A_133 : vector<16xi1>, vector<16xi32>
        %gt3A_139 = arith.cmpf ogt, %select_n3A_137, %scan3A_114 : vector<16xf32>
        %select_n3A_140 = arith.select %gt3A_139, %select_n3A_137, %scan3A_114 : vector<16xi1>, vector<16xf32>
        %select_n3A_141 = arith.select %gt3A_139, %select_n3A_138, %scan3A_120 : vector<16xi1>, vector<16xi32>
        %select_n3A_142 = arith.select %gt3A_139, %scan3A_114, %select_n3A_137 : vector<16xi1>, vector<16xf32>
        %select_n3A_143 = arith.select %gt3A_139, %scan3A_120, %select_n3A_138 : vector<16xi1>, vector<16xi32>
        %gt3A_144 = arith.cmpf ogt, %select_n3A_142, %scan3A_115 : vector<16xf32>
        %select_n3A_145 = arith.select %gt3A_144, %select_n3A_142, %scan3A_115 : vector<16xi1>, vector<16xf32>
        %select_n3A_146 = arith.select %gt3A_144, %select_n3A_143, %scan3A_121 : vector<16xi1>, vector<16xi32>
        %select_n3A_147 = arith.select %gt3A_144, %scan3A_115, %select_n3A_142 : vector<16xi1>, vector<16xf32>
        %select_n3A_148 = arith.select %gt3A_144, %scan3A_121, %select_n3A_143 : vector<16xi1>, vector<16xi32>
        %gt3A_149 = arith.cmpf ogt, %select_n3A_147, %scan3A_116 : vector<16xf32>
        %select_n3A_150 = arith.select %gt3A_149, %select_n3A_147, %scan3A_116 : vector<16xi1>, vector<16xf32>
        %select_n3A_151 = arith.select %gt3A_149, %select_n3A_148, %scan3A_122 : vector<16xi1>, vector<16xi32>
        %select_n3A_152 = arith.select %gt3A_149, %scan3A_116, %select_n3A_147 : vector<16xi1>, vector<16xf32>
        %select_n3A_153 = arith.select %gt3A_149, %scan3A_122, %select_n3A_148 : vector<16xi1>, vector<16xi32>
        %gt3A_154 = arith.cmpf ogt, %select_n3A_152, %scan3A_117 : vector<16xf32>
        %select_n3A_155 = arith.select %gt3A_154, %select_n3A_152, %scan3A_117 : vector<16xi1>, vector<16xf32>
        %select_n3A_156 = arith.select %gt3A_154, %select_n3A_153, %scan3A_123 : vector<16xi1>, vector<16xi32>
        %select_n3A_157 = arith.select %gt3A_154, %scan3A_117, %select_n3A_152 : vector<16xi1>, vector<16xf32>
        %select_n3A_158 = arith.select %gt3A_154, %scan3A_123, %select_n3A_153 : vector<16xi1>, vector<16xi32>
        scf.yield %select_n3A_130, %select_n3A_135, %select_n3A_140, %select_n3A_145, %select_n3A_150, %select_n3A_155, %select_n3A_131, %select_n3A_136, %select_n3A_141, %select_n3A_146, %select_n3A_151, %select_n3A_156 : vector<16xf32>, vector<16xf32>, vector<16xf32>, vector<16xf32>, vector<16xf32>, vector<16xf32>, vector<16xi32>, vector<16xi32>, vector<16xi32>, vector<16xi32>, vector<16xi32>, vector<16xi32>
      }
      %scan3A_47 = arith.constant 128 : i32
      %mul3A_48 = arith.constant 16 : i32
      %mul3A_49 = arith.muli %scan3A_41, %mul3A_48 : i32
      %swap3A = arith.constant 0 : i32
      %swap3A_50 = arith.index_cast %swap3A : i32 to index
      %swap3A_51 = arith.index_cast %mul3A_49 : i32 to index
      %swap3A_52 = tpu.vector_load %arg5[%swap3A_50, %swap3A_51] {strides = array<i32>} : memref<8x256xi32, #tpu.memory_space<vmem>>, vector<1x16xi32>,
      %swap3A_53 = vector.shape_cast %swap3A_52 : vector<1x16xi32> to vector<16xi32>
      %swap3A_54 = vector.shape_cast %scan3A_46#6 : vector<16xi32> to vector<1x16xi32>
      tpu.vector_store %arg5[%swap3A_50, %swap3A_51], %swap3A_54 {strides = array<i32>} : memref<8x256xi32, #tpu.memory_space<vmem>>, vector<1x16xi32>,
      %mul3A_55 = arith.constant 16 : i32
      %mul3A_56 = arith.muli %scan3A_41, %mul3A_55 : i32
      %swap3A_57 = arith.constant 1 : i32
      %swap3A_58 = arith.index_cast %swap3A_57 : i32 to index
      %swap3A_59 = arith.index_cast %mul3A_56 : i32 to index
      %swap3A_60 = tpu.vector_load %arg5[%swap3A_58, %swap3A_59] {strides = array<i32>} : memref<8x256xi32, #tpu.memory_space<vmem>>, vector<1x16xi32>,
      %swap3A_61 = vector.shape_cast %swap3A_60 : vector<1x16xi32> to vector<16xi32>
      %swap3A_62 = vector.shape_cast %scan3A_46#7 : vector<16xi32> to vector<1x16xi32>
      tpu.vector_store %arg5[%swap3A_58, %swap3A_59], %swap3A_62 {strides = array<i32>} : memref<8x256xi32, #tpu.memory_space<vmem>>, vector<1x16xi32>,
      %mul3A_63 = arith.constant 16 : i32
      %mul3A_64 = arith.muli %scan3A_41, %mul3A_63 : i32
      %swap3A_65 = arith.constant 2 : i32
      %swap3A_66 = arith.index_cast %swap3A_65 : i32 to index
      %swap3A_67 = arith.index_cast %mul3A_64 : i32 to index
      %swap3A_68 = tpu.vector_load %arg5[%swap3A_66, %swap3A_67] {strides = array<i32>} : memref<8x256xi32, #tpu.memory_space<vmem>>, vector<1x16xi32>,
      %swap3A_69 = vector.shape_cast %swap3A_68 : vector<1x16xi32> to vector<16xi32>
      %swap3A_70 = vector.shape_cast %scan3A_46#8 : vector<16xi32> to vector<1x16xi32>
      tpu.vector_store %arg5[%swap3A_66, %swap3A_67], %swap3A_70 {strides = array<i32>} : memref<8x256xi32, #tpu.memory_space<vmem>>, vector<1x16xi32>,
      %mul3A_71 = arith.constant 16 : i32
      %mul3A_72 = arith.muli %scan3A_41, %mul3A_71 : i32
      %swap3A_73 = arith.constant 3 : i32
      %swap3A_74 = arith.index_cast %swap3A_73 : i32 to index
      %swap3A_75 = arith.index_cast %mul3A_72 : i32 to index
      %swap3A_76 = tpu.vector_load %arg5[%swap3A_74, %swap3A_75] {strides = array<i32>} : memref<8x256xi32, #tpu.memory_space<vmem>>, vector<1x16xi32>,
      %swap3A_77 = vector.shape_cast %swap3A_76 : vector<1x16xi32> to vector<16xi32>
      %swap3A_78 = vector.shape_cast %scan3A_46#9 : vector<16xi32> to vector<1x16xi32>
      tpu.vector_store %arg5[%swap3A_74, %swap3A_75], %swap3A_78 {strides = array<i32>} : memref<8x256xi32, #tpu.memory_space<vmem>>, vector<1x16xi32>,
      %mul3A_79 = arith.constant 16 : i32
      %mul3A_80 = arith.muli %scan3A_41, %mul3A_79 : i32
      %swap3A_81 = arith.constant 4 : i32
      %swap3A_82 = arith.index_cast %swap3A_81 : i32 to index
      %swap3A_83 = arith.index_cast %mul3A_80 : i32 to index
      %swap3A_84 = tpu.vector_load %arg5[%swap3A_82, %swap3A_83] {strides = array<i32>} : memref<8x256xi32, #tpu.memory_space<vmem>>, vector<1x16xi32>,
      %swap3A_85 = vector.shape_cast %swap3A_84 : vector<1x16xi32> to vector<16xi32>
      %swap3A_86 = vector.shape_cast %scan3A_46#10 : vector<16xi32> to vector<1x16xi32>
      tpu.vector_store %arg5[%swap3A_82, %swap3A_83], %swap3A_86 {strides = array<i32>} : memref<8x256xi32, #tpu.memory_space<vmem>>, vector<1x16xi32>,
      %mul3A_87 = arith.constant 16 : i32
      %mul3A_88 = arith.muli %scan3A_41, %mul3A_87 : i32
      %swap3A_89 = arith.constant 5 : i32
      %swap3A_90 = arith.index_cast %swap3A_89 : i32 to index
      %swap3A_91 = arith.index_cast %mul3A_88 : i32 to index
      %swap3A_92 = tpu.vector_load %arg5[%swap3A_90, %swap3A_91] {strides = array<i32>} : memref<8x256xi32, #tpu.memory_space<vmem>>, vector<1x16xi32>,
      %swap3A_93 = vector.shape_cast %swap3A_92 : vector<1x16xi32> to vector<16xi32>
      %swap3A_94 = vector.shape_cast %scan3A_46#11 : vector<16xi32> to vector<1x16xi32>
      tpu.vector_store %arg5[%swap3A_90, %swap3A_91], %swap3A_94 {strides = array<i32>} : memref<8x256xi32, #tpu.memory_space<vmem>>, vector<1x16xi32>,
      %mul3A_95 = arith.constant 16 : i32
      %mul3A_96 = arith.muli %scan3A_41, %mul3A_95 : i32
      %swap3A_97 = arith.constant 6 : i32
      %swap3A_98 = arith.index_cast %swap3A_97 : i32 to index
      %swap3A_99 = arith.index_cast %mul3A_96 : i32 to index
      %swap3A_100 = tpu.vector_load %arg5[%swap3A_98, %swap3A_99] {strides = array<i32>} : memref<8x256xi32, #tpu.memory_space<vmem>>, vector<1x16xi32>,
      %swap3A_101 = vector.shape_cast %swap3A_100 : vector<1x16xi32> to vector<16xi32>
      %swap3A_102 = vector.shape_cast %broadcast_in_dim3A_35 : vector<16xi32> to vector<1x16xi32>
      tpu.vector_store %arg5[%swap3A_98, %swap3A_99], %swap3A_102 {strides = array<i32>} : memref<8x256xi32, #tpu.memory_space<vmem>>, vector<1x16xi32>,
      %mul3A_103 = arith.constant 16 : i32
      %mul3A_104 = arith.muli %scan3A_41, %mul3A_103 : i32
      %swap3A_105 = arith.constant 7 : i32
      %swap3A_106 = arith.index_cast %swap3A_105 : i32 to index
      %swap3A_107 = arith.index_cast %mul3A_104 : i32 to index
      %swap3A_108 = tpu.vector_load %arg5[%swap3A_106, %swap3A_107] {strides = array<i32>} : memref<8x256xi32, #tpu.memory_space<vmem>>, vector<1x16xi32>,
      %swap3A_109 = vector.shape_cast %swap3A_108 : vector<1x16xi32> to vector<16xi32>
      %swap3A_110 = vector.shape_cast %broadcast_in_dim3A_35 : vector<16xi32> to vector<1x16xi32>
      tpu.vector_store %arg5[%swap3A_106, %swap3A_107], %swap3A_110 {strides = array<i32>} : memref<8x256xi32, #tpu.memory_space<vmem>>, vector<1x16xi32>,
    }
    %scan3A_40 = arith.constant 16 : i32
    "tpu.region"() ({
      %run_scoped3A = tpu.sem_alloc : memref<!tpu.dma_semaphore, #tpu.memory_space<semaphore_mem>>
      %dma_start3A = arith.constant 0 : i32
      %dma_start3A_41 = tpu.memref_slice %arg3[%select_n3A, %dma_start3A, %mul3A_32] : memref<4x8x2048xi32, #tpu.memory_space<hbm>> -> memref<1x8x256xi32, #tpu.memory_space<hbm>>
      %dma_start3A_42 = tpu.memref_squeeze %dma_start3A_41 : memref<1x8x256xi32, #tpu.memory_space<hbm>> -> memref<8x256xi32, #tpu.memory_space<hbm>>
      %dma_start3A_43 = arith.constant 0 : i32
      %dma_start3A_44 = tpu.memref_slice %arg3[%select_n3A, %dma_start3A_43, %mul3A_32] : memref<4x8x2048xi32, #tpu.memory_space<hbm>> -> memref<1x8x256xi32, #tpu.memory_space<hbm>>
      %dma_start3A_45 = tpu.memref_squeeze %dma_start3A_44 : memref<1x8x256xi32, #tpu.memory_space<hbm>> -> memref<8x256xi32, #tpu.memory_space<hbm>>
      tpu.enqueue_dma source(%arg5 : memref<8x256xi32, #tpu.memory_space<vmem>>) target(%dma_start3A_45 : memref<8x256xi32, #tpu.memory_space<hbm>>) target_semaphore(%run_scoped3A : memref<!tpu.dma_semaphore, #tpu.memory_space<semaphore_mem>>)
      %dma_wait3A = arith.constant 0 : i32
      %dma_wait3A_46 = tpu.memref_slice %arg3[%select_n3A, %dma_wait3A, %mul3A_32] : memref<4x8x2048xi32, #tpu.memory_space<hbm>> -> memref<1x8x256xi32, #tpu.memory_space<hbm>>
      %dma_wait3A_47 = tpu.memref_squeeze %dma_wait3A_46 : memref<1x8x256xi32, #tpu.memory_space<hbm>> -> memref<8x256xi32, #tpu.memory_space<hbm>>
      %dma_wait3A_48 = arith.constant 0 : i32
      %dma_wait3A_49 = tpu.memref_slice %arg3[%select_n3A, %dma_wait3A_48, %mul3A_32] : memref<4x8x2048xi32, #tpu.memory_space<hbm>> -> memref<1x8x256xi32, #tpu.memory_space<hbm>>
      %dma_wait3A_50 = tpu.memref_squeeze %dma_wait3A_49 : memref<1x8x256xi32, #tpu.memory_space<hbm>> -> memref<8x256xi32, #tpu.memory_space<hbm>>
      tpu.wait_dma2 semaphore(%run_scoped3A : memref<!tpu.dma_semaphore, #tpu.memory_space<semaphore_mem>>) src(%arg5 : memref<8x256xi32, #tpu.memory_space<vmem>>) dst(%dma_wait3A_50 : memref<8x256xi32, #tpu.memory_space<hbm>>)
      tpu.yield
    }) : () -> ()
    return
  }
}

#map = affine_map<(d0, d1) -> (0, 0, 0)>
module attributes {stable_mosaic.version = 14 : i64} {
  func.func @_sc_topk_body(%arg0: i32, %arg1: i32, %arg2: memref<4x128x2048xf32, #tpu.memory_space<hbm>>, %arg3: memref<4x8x2048xi32, #tpu.memory_space<hbm>>, %arg4: memref<128x256xf32, #tpu.memory_space<vmem>>, %arg5: memref<8x256xi32, #tpu.memory_space<vmem>>) attributes {dimension_semantics = [#tpu.dimension_semantics<core_parallel>, #tpu.dimension_semantics<subcore_parallel>], iteration_bounds = array<i64: 2, 16>, scalar_prefetch = 0 : i64, scratch_operands = 2 : i64, tpu.core_type = #tpu.core_type<sc_vector_subcore>, window_params = [{transform_indices = #map}, {transform_indices = #map}]} {
    %mul3A = arith.constant 2 : i32
    %mul3A_0 = arith.muli %arg1, %mul3A : i32
    %add3A = arith.addi %mul3A_0, %arg0 : i32
    %jit3A = arith.constant 8 : i32
    %div3A = arith.divsi %add3A, %jit3A : i32
    %sign3A = arith.constant 0 : i32
    %sign3A_1 = arith.cmpi sgt, %add3A, %sign3A : i32
    %sign3A_2 = arith.extui %sign3A_1 : i1 to i32
    %sign3A_3 = arith.constant 0 : i32
    %sign3A_4 = arith.cmpi slt, %add3A, %sign3A_3 : i32
    %sign3A_5 = arith.extui %sign3A_4 : i1 to i32
    %sign3A_6 = arith.subi %sign3A_2, %sign3A_5 : i32
    %sign3A_7 = arith.constant 0 : i32
    %sign3A_8 = arith.cmpi sgt, %jit3A, %sign3A_7 : i32
    %sign3A_9 = arith.extui %sign3A_8 : i1 to i32
    %sign3A_10 = arith.constant 0 : i32
    %sign3A_11 = arith.cmpi slt, %jit3A, %sign3A_10 : i32
    %sign3A_12 = arith.extui %sign3A_11 : i1 to i32
    %sign3A_13 = arith.subi %sign3A_9, %sign3A_12 : i32
    %ne3A = arith.cmpi ne, %sign3A_6, %sign3A_13 : i32
    %rem3A = arith.remsi %add3A, %jit3A : i32
    %ne3A_14 = arith.constant 0 : i32
    %ne3A_15 = arith.cmpi ne, %rem3A, %ne3A_14 : i32
    %and3A = arith.andi %ne3A, %ne3A_15 : i1
    %sub3A = arith.constant 1 : i32
    %sub3A_16 = arith.subi %div3A, %sub3A : i32
    %select_n3A = arith.select %and3A, %sub3A_16, %div3A : i32
    %jit3A_17 = arith.constant 8 : i32
    %eq3A = arith.constant 0 : i32
    %eq3A_18 = arith.cmpi eq, %jit3A_17, %eq3A : i32
    %jit3A_19 = arith.constant 1 : i32
    %select_n3A_20 = arith.select %eq3A_18, %jit3A_19, %jit3A_17 : i32
    %rem3A_21 = arith.remsi %add3A, %select_n3A_20 : i32
    %ne3A_22 = arith.constant 0 : i32
    %ne3A_23 = arith.cmpi ne, %rem3A_21, %ne3A_22 : i32
    %lt3A = arith.constant 0 : i32
    %lt3A_24 = arith.cmpi slt, %rem3A_21, %lt3A : i32
    %lt3A_25 = arith.constant 0 : i32
    %lt3A_26 = arith.cmpi slt, %select_n3A_20, %lt3A_25 : i32
    %ne3A_27 = arith.xori %lt3A_24, %lt3A_26 : i1
    %and3A_28 = arith.andi %ne3A_27, %ne3A_23 : i1
    %add3A_29 = arith.addi %rem3A_21, %select_n3A_20 : i32
    %select_n3A_30 = arith.select %and3A_28, %add3A_29, %rem3A_21 : i32
    %mul3A_31 = arith.constant 256 : i32
    %mul3A_32 = arith.muli %select_n3A_30, %mul3A_31 : i32
    "tpu.region"() ({
      %run_scoped3A = tpu.sem_alloc : memref<!tpu.dma_semaphore, #tpu.memory_space<semaphore_mem>>
      %dma_start3A = arith.constant 0 : i32
      %dma_start3A_41 = tpu.memref_slice %arg2[%select_n3A, %dma_start3A, %mul3A_32] : memref<4x128x2048xf32, #tpu.memory_space<hbm>> -> memref<1x128x256xf32, #tpu.memory_space<hbm>>
      %dma_start3A_42 = tpu.memref_squeeze %dma_start3A_41 : memref<1x128x256xf32, #tpu.memory_space<hbm>> -> memref<128x256xf32, #tpu.memory_space<hbm>>
      %dma_start3A_43 = arith.constant 0 : i32
      %dma_start3A_44 = tpu.memref_slice %arg2[%select_n3A, %dma_start3A_43, %mul3A_32] : memref<4x128x2048xf32, #tpu.memory_space<hbm>> -> memref<1x128x256xf32, #tpu.memory_space<hbm>>
      %dma_start3A_45 = tpu.memref_squeeze %dma_start3A_44 : memref<1x128x256xf32, #tpu.memory_space<hbm>> -> memref<128x256xf32, #tpu.memory_space<hbm>>
      tpu.enqueue_dma source(%dma_start3A_45 : memref<128x256xf32, #tpu.memory_space<hbm>>) target(%arg4 : memref<128x256xf32, #tpu.memory_space<vmem>>) target_semaphore(%run_scoped3A : memref<!tpu.dma_semaphore, #tpu.memory_space<semaphore_mem>>)
      %dma_wait3A = arith.constant 0 : i32
      %dma_wait3A_46 = tpu.memref_slice %arg2[%select_n3A, %dma_wait3A, %mul3A_32] : memref<4x128x2048xf32, #tpu.memory_space<hbm>> -> memref<1x128x256xf32, #tpu.memory_space<hbm>>
      %dma_wait3A_47 = tpu.memref_squeeze %dma_wait3A_46 : memref<1x128x256xf32, #tpu.memory_space<hbm>> -> memref<128x256xf32, #tpu.memory_space<hbm>>
      %dma_wait3A_48 = arith.constant 0 : i32
      %dma_wait3A_49 = tpu.memref_slice %arg2[%select_n3A, %dma_wait3A_48, %mul3A_32] : memref<4x128x2048xf32, #tpu.memory_space<hbm>> -> memref<1x128x256xf32, #tpu.memory_space<hbm>>
      %dma_wait3A_50 = tpu.memref_squeeze %dma_wait3A_49 : memref<1x128x256xf32, #tpu.memory_space<hbm>> -> memref<128x256xf32, #tpu.memory_space<hbm>>
      tpu.wait_dma2 semaphore(%run_scoped3A : memref<!tpu.dma_semaphore, #tpu.memory_space<semaphore_mem>>) src(%dma_wait3A_50 : memref<128x256xf32, #tpu.memory_space<hbm>>) dst(%arg4 : memref<128x256xf32, #tpu.memory_space<vmem>>)
      tpu.yield
    }) : () -> ()
    %broadcast_in_dim3A = arith.constant 0xFF800000 : f32
    %broadcast_in_dim3A_33 = vector.broadcast %broadcast_in_dim3A : f32 to vector<16xf32>
    %broadcast_in_dim3A_34 = arith.constant 0 : i32
    %broadcast_in_dim3A_35 = vector.broadcast %broadcast_in_dim3A_34 : i32 to vector<16xi32>
    %scan3A = arith.constant 0 : i32
    %scan3A_36 = arith.constant 0 : i32
    %scan3A_37 = arith.constant 16 : i32
    %scan3A_38 = arith.addi %scan3A_36, %scan3A_37 : i32
    %scan3A_39 = arith.constant 1 : i32
    scf.for %scan3A_41 = %scan3A_36 to %scan3A_38 step %scan3A_39  : i32 {
      %scan3A_42 = arith.constant 0 : i32
      %scan3A_43 = arith.constant 128 : i32
      %scan3A_44 = arith.addi %scan3A_42, %scan3A_43 : i32
      %scan3A_45 = arith.constant 1 : i32
      %scan3A_46:12 = scf.for %scan3A_111 = %scan3A_42 to %scan3A_44 step %scan3A_45 iter_args(%scan3A_112 = %broadcast_in_dim3A_33, %scan3A_113 = %broadcast_in_dim3A_33, %scan3A_114 = %broadcast_in_dim3A_33, %scan3A_115 = %broadcast_in_dim3A_33, %scan3A_116 = %broadcast_in_dim3A_33, %scan3A_117 = %broadcast_in_dim3A_33, %scan3A_118 = %broadcast_in_dim3A_35, %scan3A_119 = %broadcast_in_dim3A_35, %scan3A_120 = %broadcast_in_dim3A_35, %scan3A_121 = %broadcast_in_dim3A_35, %scan3A_122 = %broadcast_in_dim3A_35, %scan3A_123 = %broadcast_in_dim3A_35) -> (vector<16xf32>, vector<16xf32>, vector<16xf32>, vector<16xf32>, vector<16xf32>, vector<16xf32>, vector<16xi32>, vector<16xi32>, vector<16xi32>, vector<16xi32>, vector<16xi32>, vector<16xi32>)  : i32 {
        %mul3A_124 = arith.constant 16 : i32
        %mul3A_125 = arith.muli %scan3A_41, %mul3A_124 : i32
        %get3A = arith.index_cast %scan3A_111 : i32 to index
        %get3A_126 = arith.index_cast %mul3A_125 : i32 to index
        %get3A_127 = tpu.vector_load %arg4[%get3A, %get3A_126] {strides = array<i32>} : memref<128x256xf32, #tpu.memory_space<vmem>>, vector<1x16xf32>,
        %get3A_128 = vector.shape_cast %get3A_127 : vector<1x16xf32> to vector<16xf32>
        %broadcast_in_dim3A_129 = vector.broadcast %scan3A_111 : i32 to vector<16xi32>
        %gt3A = arith.cmpf ogt, %get3A_128, %scan3A_112 : vector<16xf32>
        %select_n3A_130 = arith.select %gt3A, %get3A_128, %scan3A_112 : vector<16xi1>, vector<16xf32>
        %select_n3A_131 = arith.select %gt3A, %broadcast_in_dim3A_129, %scan3A_118 : vector<16xi1>, vector<16xi32>
        %select_n3A_132 = arith.select %gt3A, %scan3A_112, %get3A_128 : vector<16xi1>, vector<16xf32>
        %select_n3A_133 = arith.select %gt3A, %scan3A_118, %broadcast_in_dim3A_129 : vector<16xi1>, vector<16xi32>
        %gt3A_134 = arith.cmpf ogt, %select_n3A_132, %scan3A_113 : vector<16xf32>
        %select_n3A_135 = arith.select %gt3A_134, %select_n3A_132, %scan3A_113 : vector<16xi1>, vector<16xf32>
        %select_n3A_136 = arith.select %gt3A_134, %select_n3A_133, %scan3A_119 : vector<16xi1>, vector<16xi32>
        %select_n3A_137 = arith.select %gt3A_134, %scan3A_113, %select_n3A_132 : vector<16xi1>, vector<16xf32>
        %select_n3A_138 = arith.select %gt3A_134, %scan3A_119, %select_n3A_133 : vector<16xi1>, vector<16xi32>
        %gt3A_139 = arith.cmpf ogt, %select_n3A_137, %scan3A_114 : vector<16xf32>
        %select_n3A_140 = arith.select %gt3A_139, %select_n3A_137, %scan3A_114 : vector<16xi1>, vector<16xf32>
        %select_n3A_141 = arith.select %gt3A_139, %select_n3A_138, %scan3A_120 : vector<16xi1>, vector<16xi32>
        %select_n3A_142 = arith.select %gt3A_139, %scan3A_114, %select_n3A_137 : vector<16xi1>, vector<16xf32>
        %select_n3A_143 = arith.select %gt3A_139, %scan3A_120, %select_n3A_138 : vector<16xi1>, vector<16xi32>
        %gt3A_144 = arith.cmpf ogt, %select_n3A_142, %scan3A_115 : vector<16xf32>
        %select_n3A_145 = arith.select %gt3A_144, %select_n3A_142, %scan3A_115 : vector<16xi1>, vector<16xf32>
        %select_n3A_146 = arith.select %gt3A_144, %select_n3A_143, %scan3A_121 : vector<16xi1>, vector<16xi32>
        %select_n3A_147 = arith.select %gt3A_144, %scan3A_115, %select_n3A_142 : vector<16xi1>, vector<16xf32>
        %select_n3A_148 = arith.select %gt3A_144, %scan3A_121, %select_n3A_143 : vector<16xi1>, vector<16xi32>
        %gt3A_149 = arith.cmpf ogt, %select_n3A_147, %scan3A_116 : vector<16xf32>
        %select_n3A_150 = arith.select %gt3A_149, %select_n3A_147, %scan3A_116 : vector<16xi1>, vector<16xf32>
        %select_n3A_151 = arith.select %gt3A_149, %select_n3A_148, %scan3A_122 : vector<16xi1>, vector<16xi32>
        %select_n3A_152 = arith.select %gt3A_149, %scan3A_116, %select_n3A_147 : vector<16xi1>, vector<16xf32>
        %select_n3A_153 = arith.select %gt3A_149, %scan3A_122, %select_n3A_148 : vector<16xi1>, vector<16xi32>
        %gt3A_154 = arith.cmpf ogt, %select_n3A_152, %scan3A_117 : vector<16xf32>
        %select_n3A_155 = arith.select %gt3A_154, %select_n3A_152, %scan3A_117 : vector<16xi1>, vector<16xf32>
        %select_n3A_156 = arith.select %gt3A_154, %select_n3A_153, %scan3A_123 : vector<16xi1>, vector<16xi32>
        %select_n3A_157 = arith.select %gt3A_154, %scan3A_117, %select_n3A_152 : vector<16xi1>, vector<16xf32>
        %select_n3A_158 = arith.select %gt3A_154, %scan3A_123, %select_n3A_153 : vector<16xi1>, vector<16xi32>
        scf.yield %select_n3A_130, %select_n3A_135, %select_n3A_140, %select_n3A_145, %select_n3A_150, %select_n3A_155, %select_n3A_131, %select_n3A_136, %select_n3A_141, %select_n3A_146, %select_n3A_151, %select_n3A_156 : vector<16xf32>, vector<16xf32>, vector<16xf32>, vector<16xf32>, vector<16xf32>, vector<16xf32>, vector<16xi32>, vector<16xi32>, vector<16xi32>, vector<16xi32>, vector<16xi32>, vector<16xi32>
      }
      %scan3A_47 = arith.constant 128 : i32
      %mul3A_48 = arith.constant 16 : i32
      %mul3A_49 = arith.muli %scan3A_41, %mul3A_48 : i32
      %swap3A = arith.constant 0 : i32
      %swap3A_50 = arith.index_cast %swap3A : i32 to index
      %swap3A_51 = arith.index_cast %mul3A_49 : i32 to index
      %swap3A_52 = tpu.vector_load %arg5[%swap3A_50, %swap3A_51] {strides = array<i32>} : memref<8x256xi32, #tpu.memory_space<vmem>>, vector<1x16xi32>,
      %swap3A_53 = vector.shape_cast %swap3A_52 : vector<1x16xi32> to vector<16xi32>
      %swap3A_54 = vector.shape_cast %scan3A_46#6 : vector<16xi32> to vector<1x16xi32>
      tpu.vector_store %arg5[%swap3A_50, %swap3A_51], %swap3A_54 {strides = array<i32>} : memref<8x256xi32, #tpu.memory_space<vmem>>, vector<1x16xi32>,
      %mul3A_55 = arith.constant 16 : i32
      %mul3A_56 = arith.muli %scan3A_41, %mul3A_55 : i32
      %swap3A_57 = arith.constant 1 : i32
      %swap3A_58 = arith.index_cast %swap3A_57 : i32 to index
      %swap3A_59 = arith.index_cast %mul3A_56 : i32 to index
      %swap3A_60 = tpu.vector_load %arg5[%swap3A_58, %swap3A_59] {strides = array<i32>} : memref<8x256xi32, #tpu.memory_space<vmem>>, vector<1x16xi32>,
      %swap3A_61 = vector.shape_cast %swap3A_60 : vector<1x16xi32> to vector<16xi32>
      %swap3A_62 = vector.shape_cast %scan3A_46#7 : vector<16xi32> to vector<1x16xi32>
      tpu.vector_store %arg5[%swap3A_58, %swap3A_59], %swap3A_62 {strides = array<i32>} : memref<8x256xi32, #tpu.memory_space<vmem>>, vector<1x16xi32>,
      %mul3A_63 = arith.constant 16 : i32
      %mul3A_64 = arith.muli %scan3A_41, %mul3A_63 : i32
      %swap3A_65 = arith.constant 2 : i32
      %swap3A_66 = arith.index_cast %swap3A_65 : i32 to index
      %swap3A_67 = arith.index_cast %mul3A_64 : i32 to index
      %swap3A_68 = tpu.vector_load %arg5[%swap3A_66, %swap3A_67] {strides = array<i32>} : memref<8x256xi32, #tpu.memory_space<vmem>>, vector<1x16xi32>,
      %swap3A_69 = vector.shape_cast %swap3A_68 : vector<1x16xi32> to vector<16xi32>
      %swap3A_70 = vector.shape_cast %scan3A_46#8 : vector<16xi32> to vector<1x16xi32>
      tpu.vector_store %arg5[%swap3A_66, %swap3A_67], %swap3A_70 {strides = array<i32>} : memref<8x256xi32, #tpu.memory_space<vmem>>, vector<1x16xi32>,
      %mul3A_71 = arith.constant 16 : i32
      %mul3A_72 = arith.muli %scan3A_41, %mul3A_71 : i32
      %swap3A_73 = arith.constant 3 : i32
      %swap3A_74 = arith.index_cast %swap3A_73 : i32 to index
      %swap3A_75 = arith.index_cast %mul3A_72 : i32 to index
      %swap3A_76 = tpu.vector_load %arg5[%swap3A_74, %swap3A_75] {strides = array<i32>} : memref<8x256xi32, #tpu.memory_space<vmem>>, vector<1x16xi32>,
      %swap3A_77 = vector.shape_cast %swap3A_76 : vector<1x16xi32> to vector<16xi32>
      %swap3A_78 = vector.shape_cast %scan3A_46#9 : vector<16xi32> to vector<1x16xi32>
      tpu.vector_store %arg5[%swap3A_74, %swap3A_75], %swap3A_78 {strides = array<i32>} : memref<8x256xi32, #tpu.memory_space<vmem>>, vector<1x16xi32>,
      %mul3A_79 = arith.constant 16 : i32
      %mul3A_80 = arith.muli %scan3A_41, %mul3A_79 : i32
      %swap3A_81 = arith.constant 4 : i32
      %swap3A_82 = arith.index_cast %swap3A_81 : i32 to index
      %swap3A_83 = arith.index_cast %mul3A_80 : i32 to index
      %swap3A_84 = tpu.vector_load %arg5[%swap3A_82, %swap3A_83] {strides = array<i32>} : memref<8x256xi32, #tpu.memory_space<vmem>>, vector<1x16xi32>,
      %swap3A_85 = vector.shape_cast %swap3A_84 : vector<1x16xi32> to vector<16xi32>
      %swap3A_86 = vector.shape_cast %scan3A_46#10 : vector<16xi32> to vector<1x16xi32>
      tpu.vector_store %arg5[%swap3A_82, %swap3A_83], %swap3A_86 {strides = array<i32>} : memref<8x256xi32, #tpu.memory_space<vmem>>, vector<1x16xi32>,
      %mul3A_87 = arith.constant 16 : i32
      %mul3A_88 = arith.muli %scan3A_41, %mul3A_87 : i32
      %swap3A_89 = arith.constant 5 : i32
      %swap3A_90 = arith.index_cast %swap3A_89 : i32 to index
      %swap3A_91 = arith.index_cast %mul3A_88 : i32 to index
      %swap3A_92 = tpu.vector_load %arg5[%swap3A_90, %swap3A_91] {strides = array<i32>} : memref<8x256xi32, #tpu.memory_space<vmem>>, vector<1x16xi32>,
      %swap3A_93 = vector.shape_cast %swap3A_92 : vector<1x16xi32> to vector<16xi32>
      %swap3A_94 = vector.shape_cast %scan3A_46#11 : vector<16xi32> to vector<1x16xi32>
      tpu.vector_store %arg5[%swap3A_90, %swap3A_91], %swap3A_94 {strides = array<i32>} : memref<8x256xi32, #tpu.memory_space<vmem>>, vector<1x16xi32>,
      %mul3A_95 = arith.constant 16 : i32
      %mul3A_96 = arith.muli %scan3A_41, %mul3A_95 : i32
      %swap3A_97 = arith.constant 6 : i32
      %swap3A_98 = arith.index_cast %swap3A_97 : i32 to index
      %swap3A_99 = arith.index_cast %mul3A_96 : i32 to index
      %swap3A_100 = tpu.vector_load %arg5[%swap3A_98, %swap3A_99] {strides = array<i32>} : memref<8x256xi32, #tpu.memory_space<vmem>>, vector<1x16xi32>,
      %swap3A_101 = vector.shape_cast %swap3A_100 : vector<1x16xi32> to vector<16xi32>
      %swap3A_102 = vector.shape_cast %broadcast_in_dim3A_35 : vector<16xi32> to vector<1x16xi32>
      tpu.vector_store %arg5[%swap3A_98, %swap3A_99], %swap3A_102 {strides = array<i32>} : memref<8x256xi32, #tpu.memory_space<vmem>>, vector<1x16xi32>,
      %mul3A_103 = arith.constant 16 : i32
      %mul3A_104 = arith.muli %scan3A_41, %mul3A_103 : i32
      %swap3A_105 = arith.constant 7 : i32
      %swap3A_106 = arith.index_cast %swap3A_105 : i32 to index
      %swap3A_107 = arith.index_cast %mul3A_104 : i32 to index
      %swap3A_108 = tpu.vector_load %arg5[%swap3A_106, %swap3A_107] {strides = array<i32>} : memref<8x256xi32, #tpu.memory_space<vmem>>, vector<1x16xi32>,
      %swap3A_109 = vector.shape_cast %swap3A_108 : vector<1x16xi32> to vector<16xi32>
      %swap3A_110 = vector.shape_cast %broadcast_in_dim3A_35 : vector<16xi32> to vector<1x16xi32>
      tpu.vector_store %arg5[%swap3A_106, %swap3A_107], %swap3A_110 {strides = array<i32>} : memref<8x256xi32, #tpu.memory_space<vmem>>, vector<1x16xi32>,
    }
    %scan3A_40 = arith.constant 16 : i32
    "tpu.region"() ({
      %run_scoped3A = tpu.sem_alloc : memref<!tpu.dma_semaphore, #tpu.memory_space<semaphore_mem>>
      %dma_start3A = arith.constant 0 : i32
      %dma_start3A_41 = tpu.memref_slice %arg3[%select_n3A, %dma_start3A, %mul3A_32] : memref<4x8x2048xi32, #tpu.memory_space<hbm>> -> memref<1x8x256xi32, #tpu.memory_space<hbm>>
      %dma_start3A_42 = tpu.memref_squeeze %dma_start3A_41 : memref<1x8x256xi32, #tpu.memory_space<hbm>> -> memref<8x256xi32, #tpu.memory_space<hbm>>
      %dma_start3A_43 = arith.constant 0 : i32
      %dma_start3A_44 = tpu.memref_slice %arg3[%select_n3A, %dma_start3A_43, %mul3A_32] : memref<4x8x2048xi32, #tpu.memory_space<hbm>> -> memref<1x8x256xi32, #tpu.memory_space<hbm>>
      %dma_start3A_45 = tpu.memref_squeeze %dma_start3A_44 : memref<1x8x256xi32, #tpu.memory_space<hbm>> -> memref<8x256xi32, #tpu.memory_space<hbm>>
      tpu.enqueue_dma source(%arg5 : memref<8x256xi32, #tpu.memory_space<vmem>>) target(%dma_start3A_45 : memref<8x256xi32, #tpu.memory_space<hbm>>) target_semaphore(%run_scoped3A : memref<!tpu.dma_semaphore, #tpu.memory_space<semaphore_mem>>)
      %dma_wait3A = arith.constant 0 : i32
      %dma_wait3A_46 = tpu.memref_slice %arg3[%select_n3A, %dma_wait3A, %mul3A_32] : memref<4x8x2048xi32, #tpu.memory_space<hbm>> -> memref<1x8x256xi32, #tpu.memory_space<hbm>>
      %dma_wait3A_47 = tpu.memref_squeeze %dma_wait3A_46 : memref<1x8x256xi32, #tpu.memory_space<hbm>> -> memref<8x256xi32, #tpu.memory_space<hbm>>
      %dma_wait3A_48 = arith.constant 0 : i32
      %dma_wait3A_49 = tpu.memref_slice %arg3[%select_n3A, %dma_wait3A_48, %mul3A_32] : memref<4x8x2048xi32, #tpu.memory_space<hbm>> -> memref<1x8x256xi32, #tpu.memory_space<hbm>>
      %dma_wait3A_50 = tpu.memref_squeeze %dma_wait3A_49 : memref<1x8x256xi32, #tpu.memory_space<hbm>> -> memref<8x256xi32, #tpu.memory_space<hbm>>
      tpu.wait_dma2 semaphore(%run_scoped3A : memref<!tpu.dma_semaphore, #tpu.memory_space<semaphore_mem>>) src(%arg5 : memref<8x256xi32, #tpu.memory_space<vmem>>) dst(%dma_wait3A_50 : memref<8x256xi32, #tpu.memory_space<hbm>>)
      tpu.yield
    }) : () -> ()
    return
  }
}

module attributes {stable_mosaic.version = 14 : i64} {
  func.func @_prep_body(%arg0: i32, %arg1: memref<1x256x2048xf32, #tpu.memory_space<vmem>>, %arg2: memref<3x256x256xf32, #tpu.memory_space<vmem>>, %arg3: memref<4x128x16xf32, #tpu.memory_space<vmem>>, %arg4: memref<256x16xf32, #tpu.memory_space<vmem>>, %arg5: memref<8x256xf32, #tpu.memory_space<vmem>>, %arg6: memref<8x256xf32, #tpu.memory_space<vmem>>, %arg7: memref<4x256x128xf32, #tpu.memory_space<vmem>>, %arg8: memref<4x8x128xf32, #tpu.memory_space<vmem>>) attributes {dimension_semantics = [#tpu.dimension_semantics<arbitrary>], iteration_bounds = array<i64: 4>, scalar_prefetch = 0 : i64, scratch_operands = 0 : i64, tpu.core_type = #tpu.core_type<tc>, window_params = [{transform_indices = @transform_0, window_bounds = array<i64: 1, 256, 2048>}, {pipeline_mode = #tpu.pipeline_mode<synchronous>, transform_indices = @transform_1, window_bounds = array<i64: 3, 256, 256>}, {pipeline_mode = #tpu.pipeline_mode<synchronous>, transform_indices = @transform_2, window_bounds = array<i64: 4, 128, 16>}, {pipeline_mode = #tpu.pipeline_mode<synchronous>, transform_indices = @transform_3, window_bounds = array<i64: 256, 16>}, {pipeline_mode = #tpu.pipeline_mode<synchronous>, transform_indices = @transform_4, window_bounds = array<i64: 8, 256>}, {pipeline_mode = #tpu.pipeline_mode<synchronous>, transform_indices = @transform_5, window_bounds = array<i64: 8, 256>}, {pipeline_mode = #tpu.pipeline_mode<synchronous>, transform_indices = @transform_6, window_bounds = array<i64: 4, 256, 128>}, {pipeline_mode = #tpu.pipeline_mode<synchronous>, transform_indices = @transform_7, window_bounds = array<i64: 4, 8, 128>}]} {
    %get3A = arith.constant 0 : index
    %get3A_0 = arith.constant 0 : index
    %get3A_1 = arith.constant 0 : index
    %get3A_2 = vector.load %arg1[%get3A, %get3A_0, %get3A_1] : memref<1x256x2048xf32, #tpu.memory_space<vmem>>, vector<1x256x2048xf32>
    %get3A_3 = vector.shape_cast %get3A_2 : vector<1x256x2048xf32> to vector<256x2048xf32>
    %broadcast_in_dim3A = arith.constant 0.000000e+00 : f32
    %broadcast_in_dim3A_4 = vector.broadcast %broadcast_in_dim3A : f32 to vector<256x1xf32>
    %concatenate3A = tpu.concatenate %broadcast_in_dim3A_4, %get3A_3, %broadcast_in_dim3A_4 in 1 : vector<256x1xf32>, vector<256x2048xf32>, vector<256x1xf32> -> vector<256x2050xf32>
    %get3A_5 = arith.constant 0 : index
    %get3A_6 = arith.constant 0 : index
    %get3A_7 = arith.constant 0 : index
    %get3A_8 = vector.load %arg2[%get3A_5, %get3A_6, %get3A_7] : memref<3x256x256xf32, #tpu.memory_space<vmem>>, vector<1x256x256xf32>
    %get3A_9 = vector.shape_cast %get3A_8 : vector<1x256x256xf32> to vector<256x256xf32>
    %slice3A = vector.extract_strided_slice %concatenate3A {offsets = [0, 0], sizes = [256, 2048], strides = [1, 1]} : vector<256x2050xf32> to vector<256x2048xf32>
    %dot_general3A = arith.constant dense<0.000000e+00> : vector<256x2048xf32>
    %dot_general3A_10 = tpu.matmul %get3A_9, %slice3A, %dot_general3A {dimension_numbers = #tpu.dot_dimension_numbers<[1], [0], [0], [1], [0, 0, 1, 1], [], []>, transpose_lhs_hint = false} : vector<256x256xf32>, vector<256x2048xf32>, vector<256x2048xf32> -> vector<256x2048xf32>
    %get3A_11 = arith.constant 1 : index
    %get3A_12 = arith.constant 0 : index
    %get3A_13 = arith.constant 0 : index
    %get3A_14 = vector.load %arg2[%get3A_11, %get3A_12, %get3A_13] : memref<3x256x256xf32, #tpu.memory_space<vmem>>, vector<1x256x256xf32>
    %get3A_15 = vector.shape_cast %get3A_14 : vector<1x256x256xf32> to vector<256x256xf32>
    %slice3A_16 = vector.extract_strided_slice %concatenate3A {offsets = [0, 1], sizes = [256, 2048], strides = [1, 1]} : vector<256x2050xf32> to vector<256x2048xf32>
    %dot_general3A_17 = arith.constant dense<0.000000e+00> : vector<256x2048xf32>
    %dot_general3A_18 = tpu.matmul %get3A_15, %slice3A_16, %dot_general3A_17 {dimension_numbers = #tpu.dot_dimension_numbers<[1], [0], [0], [1], [0, 0, 1, 1], [], []>, transpose_lhs_hint = false} : vector<256x256xf32>, vector<256x2048xf32>, vector<256x2048xf32> -> vector<256x2048xf32>
    %add3A = arith.addf %dot_general3A_10, %dot_general3A_18 : vector<256x2048xf32>
    %get3A_19 = arith.constant 2 : index
    %get3A_20 = arith.constant 0 : index
    %get3A_21 = arith.constant 0 : index
    %get3A_22 = vector.load %arg2[%get3A_19, %get3A_20, %get3A_21] : memref<3x256x256xf32, #tpu.memory_space<vmem>>, vector<1x256x256xf32>
    %get3A_23 = vector.shape_cast %get3A_22 : vector<1x256x256xf32> to vector<256x256xf32>
    %slice3A_24 = vector.extract_strided_slice %concatenate3A {offsets = [0, 2], sizes = [256, 2048], strides = [1, 1]} : vector<256x2050xf32> to vector<256x2048xf32>
    %dot_general3A_25 = arith.constant dense<0.000000e+00> : vector<256x2048xf32>
    %dot_general3A_26 = tpu.matmul %get3A_23, %slice3A_24, %dot_general3A_25 {dimension_numbers = #tpu.dot_dimension_numbers<[1], [0], [0], [1], [0, 0, 1, 1], [], []>, transpose_lhs_hint = false} : vector<256x256xf32>, vector<256x2048xf32>, vector<256x2048xf32> -> vector<256x2048xf32>
    %add3A_27 = arith.addf %add3A, %dot_general3A_26 : vector<256x2048xf32>
    %get3A_28 = arith.constant 2 : index
    %get3A_29 = arith.constant 0 : index
    %get3A_30 = vector.load %arg5[%get3A_28, %get3A_29] : memref<8x256xf32, #tpu.memory_space<vmem>>, vector<1x256xf32>
    %get3A_31 = vector.shape_cast %get3A_30 : vector<1x256xf32> to vector<256xf32>
    %broadcast_in_dim3A_32 = vector.shape_cast %get3A_31 : vector<256xf32> to vector<256x1xf32>
    %add3A_33 = vector.broadcast %broadcast_in_dim3A_32 : vector<256x1xf32> to vector<256x2048xf32>
    %add3A_34 = arith.addf %add3A_27, %add3A_33 : vector<256x2048xf32>
    %eq3A = arith.constant 0 : i32
    %eq3A_35 = arith.cmpi eq, %arg0, %eq3A : i32
    %convert_element_type3A = arith.extui %eq3A_35 : i1 to i32
    %cond3A = arith.constant 0 : i32
    %cond3A_36 = arith.cmpi ne, %convert_element_type3A, %cond3A : i32
    scf.if %cond3A_36 {
      %broadcast_in_dim3A_277 = arith.constant 0.000000e+00 : f32
      %broadcast_in_dim3A_278 = vector.broadcast %broadcast_in_dim3A_277 : f32 to vector<8x256xf32>
      %swap3A_279 = arith.constant 0 : index
      %swap3A_280 = arith.constant 0 : index
      %swap3A_281 = vector.load %arg6[%swap3A_279, %swap3A_280] : memref<8x256xf32, #tpu.memory_space<vmem>>, vector<8x256xf32>
      tpu.vector_store %arg6[%swap3A_279, %swap3A_280], %broadcast_in_dim3A_278 {strides = array<i32>} : memref<8x256xf32, #tpu.memory_space<vmem>>, vector<8x256xf32>,
    } else {
    }
    %get3A_37 = arith.constant 0 : index
    %get3A_38 = arith.constant 0 : index
    %get3A_39 = vector.load %arg6[%get3A_37, %get3A_38] : memref<8x256xf32, #tpu.memory_space<vmem>>, vector<1x256xf32>
    %get3A_40 = vector.shape_cast %get3A_39 : vector<1x256xf32> to vector<256xf32>
    %reduce_sum3A = arith.constant dense<0.000000e+00> : vector<256xf32>
    %reduce_sum3A_41 = vector.multi_reduction <add>, %add3A_34, %reduce_sum3A [1] : vector<256x2048xf32> to vector<256xf32>
    %add3A_42 = arith.addf %get3A_40, %reduce_sum3A_41 : vector<256xf32>
    %swap3A = arith.constant 0 : index
    %swap3A_43 = arith.constant 0 : index
    %swap3A_44 = vector.load %arg6[%swap3A, %swap3A_43] : memref<8x256xf32, #tpu.memory_space<vmem>>, vector<1x256xf32>
    %swap3A_45 = vector.shape_cast %swap3A_44 : vector<1x256xf32> to vector<256xf32>
    %swap3A_46 = vector.shape_cast %add3A_42 : vector<256xf32> to vector<1x256xf32>
    tpu.vector_store %arg6[%swap3A, %swap3A_43], %swap3A_46 {strides = array<i32>} : memref<8x256xf32, #tpu.memory_space<vmem>>, vector<1x256xf32>,
    %get3A_47 = arith.constant 1 : index
    %get3A_48 = arith.constant 0 : index
    %get3A_49 = vector.load %arg6[%get3A_47, %get3A_48] : memref<8x256xf32, #tpu.memory_space<vmem>>, vector<1x256xf32>
    %get3A_50 = vector.shape_cast %get3A_49 : vector<1x256xf32> to vector<256xf32>
    %mul3A = arith.mulf %add3A_34, %add3A_34 : vector<256x2048xf32>
    %reduce_sum3A_51 = arith.constant dense<0.000000e+00> : vector<256xf32>
    %reduce_sum3A_52 = vector.multi_reduction <add>, %mul3A, %reduce_sum3A_51 [1] : vector<256x2048xf32> to vector<256xf32>
    %add3A_53 = arith.addf %get3A_50, %reduce_sum3A_52 : vector<256xf32>
    %swap3A_54 = arith.constant 1 : index
    %swap3A_55 = arith.constant 0 : index
    %swap3A_56 = vector.load %arg6[%swap3A_54, %swap3A_55] : memref<8x256xf32, #tpu.memory_space<vmem>>, vector<1x256xf32>
    %swap3A_57 = vector.shape_cast %swap3A_56 : vector<1x256xf32> to vector<256xf32>
    %swap3A_58 = vector.shape_cast %add3A_53 : vector<256xf32> to vector<1x256xf32>
    tpu.vector_store %arg6[%swap3A_54, %swap3A_55], %swap3A_58 {strides = array<i32>} : memref<8x256xf32, #tpu.memory_space<vmem>>, vector<1x256xf32>,
    %get3A_59 = arith.constant 0 : index
    %get3A_60 = arith.constant 0 : index
    %get3A_61 = arith.constant 0 : index
    %get3A_62 = vector.load %arg3[%get3A_59, %get3A_60, %get3A_61] : memref<4x128x16xf32, #tpu.memory_space<vmem>>, vector<4x128x16xf32>
    %broadcast_in_dim3A_63 = arith.constant 0.000000e+00 : f32
    %broadcast_in_dim3A_64 = vector.broadcast %broadcast_in_dim3A_63 : f32 to vector<256xf32>
    %broadcast_in_dim3A_65 = arith.constant 0.000000e+00 : f32
    %broadcast_in_dim3A_66 = vector.broadcast %broadcast_in_dim3A_65 : f32 to vector<256xf32>
    %get3A_67 = arith.constant 0 : index
    %get3A_68 = arith.constant 0 : index
    %get3A_69 = vector.load %arg4[%get3A_67, %get3A_68] : memref<256x16xf32, #tpu.memory_space<vmem>>, vector<256x16xf32>
    %slice3A_70 = vector.extract_strided_slice %get3A_62 {offsets = [0, 0, 0], sizes = [1, 128, 16], strides = [1, 1, 1]} : vector<4x128x16xf32> to vector<1x128x16xf32>
    %squeeze3A = vector.shape_cast %slice3A_70 : vector<1x128x16xf32> to vector<128x16xf32>
    %dot_general3A_71 = arith.constant dense<0.000000e+00> : vector<256x128xf32>
    %dot_general3A_72 = tpu.matmul %get3A_69, %squeeze3A, %dot_general3A_71 {dimension_numbers = #tpu.dot_dimension_numbers<[1], [1], [0], [0], [0, 0, 1, 0], [], []>, transpose_lhs_hint = false} : vector<256x16xf32>, vector<128x16xf32>, vector<256x128xf32> -> vector<256x128xf32>
    %get3A_73 = arith.constant 5 : index
    %get3A_74 = arith.constant 0 : index
    %get3A_75 = vector.load %arg5[%get3A_73, %get3A_74] : memref<8x256xf32, #tpu.memory_space<vmem>>, vector<1x256xf32>
    %get3A_76 = vector.shape_cast %get3A_75 : vector<1x256xf32> to vector<256xf32>
    %broadcast_in_dim3A_77 = vector.shape_cast %get3A_76 : vector<256xf32> to vector<256x1xf32>
    %add3A_78 = vector.broadcast %broadcast_in_dim3A_77 : vector<256x1xf32> to vector<256x128xf32>
    %add3A_79 = arith.addf %dot_general3A_72, %add3A_78 : vector<256x128xf32>
    %reduce_sum3A_80 = arith.constant dense<0.000000e+00> : vector<256xf32>
    %reduce_sum3A_81 = vector.multi_reduction <add>, %add3A_79, %reduce_sum3A_80 [1] : vector<256x128xf32> to vector<256xf32>
    %add3A_82 = arith.addf %broadcast_in_dim3A_64, %reduce_sum3A_81 : vector<256xf32>
    %mul3A_83 = arith.mulf %add3A_79, %add3A_79 : vector<256x128xf32>
    %reduce_sum3A_84 = arith.constant dense<0.000000e+00> : vector<256xf32>
    %reduce_sum3A_85 = vector.multi_reduction <add>, %mul3A_83, %reduce_sum3A_84 [1] : vector<256x128xf32> to vector<256xf32>
    %add3A_86 = arith.addf %broadcast_in_dim3A_66, %reduce_sum3A_85 : vector<256xf32>
    %get3A_87 = arith.constant 0 : index
    %get3A_88 = arith.constant 0 : index
    %get3A_89 = vector.load %arg4[%get3A_87, %get3A_88] : memref<256x16xf32, #tpu.memory_space<vmem>>, vector<256x16xf32>
    %slice3A_90 = vector.extract_strided_slice %get3A_62 {offsets = [1, 0, 0], sizes = [1, 128, 16], strides = [1, 1, 1]} : vector<4x128x16xf32> to vector<1x128x16xf32>
    %squeeze3A_91 = vector.shape_cast %slice3A_90 : vector<1x128x16xf32> to vector<128x16xf32>
    %dot_general3A_92 = arith.constant dense<0.000000e+00> : vector<256x128xf32>
    %dot_general3A_93 = tpu.matmul %get3A_89, %squeeze3A_91, %dot_general3A_92 {dimension_numbers = #tpu.dot_dimension_numbers<[1], [1], [0], [0], [0, 0, 1, 0], [], []>, transpose_lhs_hint = false} : vector<256x16xf32>, vector<128x16xf32>, vector<256x128xf32> -> vector<256x128xf32>
    %get3A_94 = arith.constant 5 : index
    %get3A_95 = arith.constant 0 : index
    %get3A_96 = vector.load %arg5[%get3A_94, %get3A_95] : memref<8x256xf32, #tpu.memory_space<vmem>>, vector<1x256xf32>
    %get3A_97 = vector.shape_cast %get3A_96 : vector<1x256xf32> to vector<256xf32>
    %broadcast_in_dim3A_98 = vector.shape_cast %get3A_97 : vector<256xf32> to vector<256x1xf32>
    %add3A_99 = vector.broadcast %broadcast_in_dim3A_98 : vector<256x1xf32> to vector<256x128xf32>
    %add3A_100 = arith.addf %dot_general3A_93, %add3A_99 : vector<256x128xf32>
    %reduce_sum3A_101 = arith.constant dense<0.000000e+00> : vector<256xf32>
    %reduce_sum3A_102 = vector.multi_reduction <add>, %add3A_100, %reduce_sum3A_101 [1] : vector<256x128xf32> to vector<256xf32>
    %add3A_103 = arith.addf %add3A_82, %reduce_sum3A_102 : vector<256xf32>
    %mul3A_104 = arith.mulf %add3A_100, %add3A_100 : vector<256x128xf32>
    %reduce_sum3A_105 = arith.constant dense<0.000000e+00> : vector<256xf32>
    %reduce_sum3A_106 = vector.multi_reduction <add>, %mul3A_104, %reduce_sum3A_105 [1] : vector<256x128xf32> to vector<256xf32>
    %add3A_107 = arith.addf %add3A_86, %reduce_sum3A_106 : vector<256xf32>
    %get3A_108 = arith.constant 0 : index
    %get3A_109 = arith.constant 0 : index
    %get3A_110 = vector.load %arg4[%get3A_108, %get3A_109] : memref<256x16xf32, #tpu.memory_space<vmem>>, vector<256x16xf32>
    %slice3A_111 = vector.extract_strided_slice %get3A_62 {offsets = [2, 0, 0], sizes = [1, 128, 16], strides = [1, 1, 1]} : vector<4x128x16xf32> to vector<1x128x16xf32>
    %squeeze3A_112 = vector.shape_cast %slice3A_111 : vector<1x128x16xf32> to vector<128x16xf32>
    %dot_general3A_113 = arith.constant dense<0.000000e+00> : vector<256x128xf32>
    %dot_general3A_114 = tpu.matmul %get3A_110, %squeeze3A_112, %dot_general3A_113 {dimension_numbers = #tpu.dot_dimension_numbers<[1], [1], [0], [0], [0, 0, 1, 0], [], []>, transpose_lhs_hint = false} : vector<256x16xf32>, vector<128x16xf32>, vector<256x128xf32> -> vector<256x128xf32>
    %get3A_115 = arith.constant 5 : index
    %get3A_116 = arith.constant 0 : index
    %get3A_117 = vector.load %arg5[%get3A_115, %get3A_116] : memref<8x256xf32, #tpu.memory_space<vmem>>, vector<1x256xf32>
    %get3A_118 = vector.shape_cast %get3A_117 : vector<1x256xf32> to vector<256xf32>
    %broadcast_in_dim3A_119 = vector.shape_cast %get3A_118 : vector<256xf32> to vector<256x1xf32>
    %add3A_120 = vector.broadcast %broadcast_in_dim3A_119 : vector<256x1xf32> to vector<256x128xf32>
    %add3A_121 = arith.addf %dot_general3A_114, %add3A_120 : vector<256x128xf32>
    %reduce_sum3A_122 = arith.constant dense<0.000000e+00> : vector<256xf32>
    %reduce_sum3A_123 = vector.multi_reduction <add>, %add3A_121, %reduce_sum3A_122 [1] : vector<256x128xf32> to vector<256xf32>
    %add3A_124 = arith.addf %add3A_103, %reduce_sum3A_123 : vector<256xf32>
    %mul3A_125 = arith.mulf %add3A_121, %add3A_121 : vector<256x128xf32>
    %reduce_sum3A_126 = arith.constant dense<0.000000e+00> : vector<256xf32>
    %reduce_sum3A_127 = vector.multi_reduction <add>, %mul3A_125, %reduce_sum3A_126 [1] : vector<256x128xf32> to vector<256xf32>
    %add3A_128 = arith.addf %add3A_107, %reduce_sum3A_127 : vector<256xf32>
    %get3A_129 = arith.constant 0 : index
    %get3A_130 = arith.constant 0 : index
    %get3A_131 = vector.load %arg4[%get3A_129, %get3A_130] : memref<256x16xf32, #tpu.memory_space<vmem>>, vector<256x16xf32>
    %slice3A_132 = vector.extract_strided_slice %get3A_62 {offsets = [3, 0, 0], sizes = [1, 128, 16], strides = [1, 1, 1]} : vector<4x128x16xf32> to vector<1x128x16xf32>
    %squeeze3A_133 = vector.shape_cast %slice3A_132 : vector<1x128x16xf32> to vector<128x16xf32>
    %dot_general3A_134 = arith.constant dense<0.000000e+00> : vector<256x128xf32>
    %dot_general3A_135 = tpu.matmul %get3A_131, %squeeze3A_133, %dot_general3A_134 {dimension_numbers = #tpu.dot_dimension_numbers<[1], [1], [0], [0], [0, 0, 1, 0], [], []>, transpose_lhs_hint = false} : vector<256x16xf32>, vector<128x16xf32>, vector<256x128xf32> -> vector<256x128xf32>
    %get3A_136 = arith.constant 5 : index
    %get3A_137 = arith.constant 0 : index
    %get3A_138 = vector.load %arg5[%get3A_136, %get3A_137] : memref<8x256xf32, #tpu.memory_space<vmem>>, vector<1x256xf32>
    %get3A_139 = vector.shape_cast %get3A_138 : vector<1x256xf32> to vector<256xf32>
    %broadcast_in_dim3A_140 = vector.shape_cast %get3A_139 : vector<256xf32> to vector<256x1xf32>
    %add3A_141 = vector.broadcast %broadcast_in_dim3A_140 : vector<256x1xf32> to vector<256x128xf32>
    %add3A_142 = arith.addf %dot_general3A_135, %add3A_141 : vector<256x128xf32>
    %reduce_sum3A_143 = arith.constant dense<0.000000e+00> : vector<256xf32>
    %reduce_sum3A_144 = vector.multi_reduction <add>, %add3A_142, %reduce_sum3A_143 [1] : vector<256x128xf32> to vector<256xf32>
    %add3A_145 = arith.addf %add3A_124, %reduce_sum3A_144 : vector<256xf32>
    %mul3A_146 = arith.mulf %add3A_142, %add3A_142 : vector<256x128xf32>
    %reduce_sum3A_147 = arith.constant dense<0.000000e+00> : vector<256xf32>
    %reduce_sum3A_148 = vector.multi_reduction <add>, %mul3A_146, %reduce_sum3A_147 [1] : vector<256x128xf32> to vector<256xf32>
    %add3A_149 = arith.addf %add3A_128, %reduce_sum3A_148 : vector<256xf32>
    %div3A = arith.constant 5.120000e+02 : f32
    %div3A_150 = vector.broadcast %div3A : f32 to vector<256xf32>
    %div3A_151 = arith.divf %add3A_145, %div3A_150 : vector<256xf32>
    %div3A_152 = arith.constant 5.120000e+02 : f32
    %div3A_153 = vector.broadcast %div3A_152 : f32 to vector<256xf32>
    %div3A_154 = arith.divf %add3A_149, %div3A_153 : vector<256xf32>
    %mul3A_155 = arith.mulf %div3A_151, %div3A_151 : vector<256xf32>
    %sub3A = arith.subf %div3A_154, %mul3A_155 : vector<256xf32>
    %get3A_156 = arith.constant 6 : index
    %get3A_157 = arith.constant 0 : index
    %get3A_158 = vector.load %arg5[%get3A_156, %get3A_157] : memref<8x256xf32, #tpu.memory_space<vmem>>, vector<1x256xf32>
    %get3A_159 = vector.shape_cast %get3A_158 : vector<1x256xf32> to vector<256xf32>
    %add3A_160 = arith.constant 9.99999974E-6 : f32
    %add3A_161 = vector.broadcast %add3A_160 : f32 to vector<256xf32>
    %add3A_162 = arith.addf %sub3A, %add3A_161 : vector<256xf32>
    %rsqrt3A = math.rsqrt %add3A_162 : vector<256xf32>
    %mul3A_163 = arith.mulf %get3A_159, %rsqrt3A : vector<256xf32>
    %get3A_164 = arith.constant 7 : index
    %get3A_165 = arith.constant 0 : index
    %get3A_166 = vector.load %arg5[%get3A_164, %get3A_165] : memref<8x256xf32, #tpu.memory_space<vmem>>, vector<1x256xf32>
    %get3A_167 = vector.shape_cast %get3A_166 : vector<1x256xf32> to vector<256xf32>
    %mul3A_168 = arith.mulf %div3A_151, %mul3A_163 : vector<256xf32>
    %sub3A_169 = arith.subf %get3A_167, %mul3A_168 : vector<256xf32>
    %broadcast_in_dim3A_170 = vector.shape_cast %mul3A_163 : vector<256xf32> to vector<256x1xf32>
    %mul3A_171 = vector.broadcast %broadcast_in_dim3A_170 : vector<256x1xf32> to vector<256x128xf32>
    %mul3A_172 = arith.mulf %add3A_79, %mul3A_171 : vector<256x128xf32>
    %broadcast_in_dim3A_173 = vector.shape_cast %sub3A_169 : vector<256xf32> to vector<256x1xf32>
    %add3A_174 = vector.broadcast %broadcast_in_dim3A_173 : vector<256x1xf32> to vector<256x128xf32>
    %add3A_175 = arith.addf %mul3A_172, %add3A_174 : vector<256x128xf32>
    %max3A = arith.constant 0.000000e+00 : f32
    %max3A_176 = vector.broadcast %max3A : f32 to vector<256x128xf32>
    %max3A_177 = arith.maximumf %add3A_175, %max3A_176 : vector<256x128xf32>
    %swap3A_178 = arith.constant 0 : index
    %swap3A_179 = arith.constant 0 : index
    %swap3A_180 = arith.constant 0 : index
    %swap3A_181 = vector.load %arg7[%swap3A_178, %swap3A_179, %swap3A_180] : memref<4x256x128xf32, #tpu.memory_space<vmem>>, vector<1x256x128xf32>
    %swap3A_182 = vector.shape_cast %swap3A_181 : vector<1x256x128xf32> to vector<256x128xf32>
    %swap3A_183 = vector.shape_cast %max3A_177 : vector<256x128xf32> to vector<1x256x128xf32>
    tpu.vector_store %arg7[%swap3A_178, %swap3A_179, %swap3A_180], %swap3A_183 {strides = array<i32>} : memref<4x256x128xf32, #tpu.memory_space<vmem>>, vector<1x256x128xf32>,
    %mul3A_184 = arith.mulf %max3A_177, %max3A_177 : vector<256x128xf32>
    %reduce_sum3A_185 = arith.constant dense<0.000000e+00> : vector<128xf32>
    %reduce_sum3A_186 = vector.multi_reduction <add>, %mul3A_184, %reduce_sum3A_185 [0] : vector<256x128xf32> to vector<128xf32>
    %broadcast_in_dim3A_187 = vector.shape_cast %reduce_sum3A_186 : vector<128xf32> to vector<1x128xf32>
    %broadcast_in_dim3A_188 = vector.shape_cast %broadcast_in_dim3A_187 : vector<1x128xf32> to vector<1x128xf32>
    %broadcast_in_dim3A_189 = vector.broadcast %broadcast_in_dim3A_188 : vector<1x128xf32> to vector<8x128xf32>
    %swap3A_190 = arith.constant 0 : index
    %swap3A_191 = arith.constant 0 : index
    %swap3A_192 = arith.constant 0 : index
    %swap3A_193 = vector.load %arg8[%swap3A_190, %swap3A_191, %swap3A_192] : memref<4x8x128xf32, #tpu.memory_space<vmem>>, vector<1x8x128xf32>
    %swap3A_194 = vector.shape_cast %swap3A_193 : vector<1x8x128xf32> to vector<8x128xf32>
    %swap3A_195 = vector.shape_cast %broadcast_in_dim3A_189 : vector<8x128xf32> to vector<1x8x128xf32>
    tpu.vector_store %arg8[%swap3A_190, %swap3A_191, %swap3A_192], %swap3A_195 {strides = array<i32>} : memref<4x8x128xf32, #tpu.memory_space<vmem>>, vector<1x8x128xf32>,
    %broadcast_in_dim3A_196 = vector.shape_cast %mul3A_163 : vector<256xf32> to vector<256x1xf32>
    %mul3A_197 = vector.broadcast %broadcast_in_dim3A_196 : vector<256x1xf32> to vector<256x128xf32>
    %mul3A_198 = arith.mulf %add3A_100, %mul3A_197 : vector<256x128xf32>
    %broadcast_in_dim3A_199 = vector.shape_cast %sub3A_169 : vector<256xf32> to vector<256x1xf32>
    %add3A_200 = vector.broadcast %broadcast_in_dim3A_199 : vector<256x1xf32> to vector<256x128xf32>
    %add3A_201 = arith.addf %mul3A_198, %add3A_200 : vector<256x128xf32>
    %max3A_202 = arith.constant 0.000000e+00 : f32
    %max3A_203 = vector.broadcast %max3A_202 : f32 to vector<256x128xf32>
    %max3A_204 = arith.maximumf %add3A_201, %max3A_203 : vector<256x128xf32>
    %swap3A_205 = arith.constant 1 : index
    %swap3A_206 = arith.constant 0 : index
    %swap3A_207 = arith.constant 0 : index
    %swap3A_208 = vector.load %arg7[%swap3A_205, %swap3A_206, %swap3A_207] : memref<4x256x128xf32, #tpu.memory_space<vmem>>, vector<1x256x128xf32>
    %swap3A_209 = vector.shape_cast %swap3A_208 : vector<1x256x128xf32> to vector<256x128xf32>
    %swap3A_210 = vector.shape_cast %max3A_204 : vector<256x128xf32> to vector<1x256x128xf32>
    tpu.vector_store %arg7[%swap3A_205, %swap3A_206, %swap3A_207], %swap3A_210 {strides = array<i32>} : memref<4x256x128xf32, #tpu.memory_space<vmem>>, vector<1x256x128xf32>,
    %mul3A_211 = arith.mulf %max3A_204, %max3A_204 : vector<256x128xf32>
    %reduce_sum3A_212 = arith.constant dense<0.000000e+00> : vector<128xf32>
    %reduce_sum3A_213 = vector.multi_reduction <add>, %mul3A_211, %reduce_sum3A_212 [0] : vector<256x128xf32> to vector<128xf32>
    %broadcast_in_dim3A_214 = vector.shape_cast %reduce_sum3A_213 : vector<128xf32> to vector<1x128xf32>
    %broadcast_in_dim3A_215 = vector.shape_cast %broadcast_in_dim3A_214 : vector<1x128xf32> to vector<1x128xf32>
    %broadcast_in_dim3A_216 = vector.broadcast %broadcast_in_dim3A_215 : vector<1x128xf32> to vector<8x128xf32>
    %swap3A_217 = arith.constant 1 : index
    %swap3A_218 = arith.constant 0 : index
    %swap3A_219 = arith.constant 0 : index
    %swap3A_220 = vector.load %arg8[%swap3A_217, %swap3A_218, %swap3A_219] : memref<4x8x128xf32, #tpu.memory_space<vmem>>, vector<1x8x128xf32>
    %swap3A_221 = vector.shape_cast %swap3A_220 : vector<1x8x128xf32> to vector<8x128xf32>
    %swap3A_222 = vector.shape_cast %broadcast_in_dim3A_216 : vector<8x128xf32> to vector<1x8x128xf32>
    tpu.vector_store %arg8[%swap3A_217, %swap3A_218, %swap3A_219], %swap3A_222 {strides = array<i32>} : memref<4x8x128xf32, #tpu.memory_space<vmem>>, vector<1x8x128xf32>,
    %broadcast_in_dim3A_223 = vector.shape_cast %mul3A_163 : vector<256xf32> to vector<256x1xf32>
    %mul3A_224 = vector.broadcast %broadcast_in_dim3A_223 : vector<256x1xf32> to vector<256x128xf32>
    %mul3A_225 = arith.mulf %add3A_121, %mul3A_224 : vector<256x128xf32>
    %broadcast_in_dim3A_226 = vector.shape_cast %sub3A_169 : vector<256xf32> to vector<256x1xf32>
    %add3A_227 = vector.broadcast %broadcast_in_dim3A_226 : vector<256x1xf32> to vector<256x128xf32>
    %add3A_228 = arith.addf %mul3A_225, %add3A_227 : vector<256x128xf32>
    %max3A_229 = arith.constant 0.000000e+00 : f32
    %max3A_230 = vector.broadcast %max3A_229 : f32 to vector<256x128xf32>
    %max3A_231 = arith.maximumf %add3A_228, %max3A_230 : vector<256x128xf32>
    %swap3A_232 = arith.constant 2 : index
    %swap3A_233 = arith.constant 0 : index
    %swap3A_234 = arith.constant 0 : index
    %swap3A_235 = vector.load %arg7[%swap3A_232, %swap3A_233, %swap3A_234] : memref<4x256x128xf32, #tpu.memory_space<vmem>>, vector<1x256x128xf32>
    %swap3A_236 = vector.shape_cast %swap3A_235 : vector<1x256x128xf32> to vector<256x128xf32>
    %swap3A_237 = vector.shape_cast %max3A_231 : vector<256x128xf32> to vector<1x256x128xf32>
    tpu.vector_store %arg7[%swap3A_232, %swap3A_233, %swap3A_234], %swap3A_237 {strides = array<i32>} : memref<4x256x128xf32, #tpu.memory_space<vmem>>, vector<1x256x128xf32>,
    %mul3A_238 = arith.mulf %max3A_231, %max3A_231 : vector<256x128xf32>
    %reduce_sum3A_239 = arith.constant dense<0.000000e+00> : vector<128xf32>
    %reduce_sum3A_240 = vector.multi_reduction <add>, %mul3A_238, %reduce_sum3A_239 [0] : vector<256x128xf32> to vector<128xf32>
    %broadcast_in_dim3A_241 = vector.shape_cast %reduce_sum3A_240 : vector<128xf32> to vector<1x128xf32>
    %broadcast_in_dim3A_242 = vector.shape_cast %broadcast_in_dim3A_241 : vector<1x128xf32> to vector<1x128xf32>
    %broadcast_in_dim3A_243 = vector.broadcast %broadcast_in_dim3A_242 : vector<1x128xf32> to vector<8x128xf32>
    %swap3A_244 = arith.constant 2 : index
    %swap3A_245 = arith.constant 0 : index
    %swap3A_246 = arith.constant 0 : index
    %swap3A_247 = vector.load %arg8[%swap3A_244, %swap3A_245, %swap3A_246] : memref<4x8x128xf32, #tpu.memory_space<vmem>>, vector<1x8x128xf32>
    %swap3A_248 = vector.shape_cast %swap3A_247 : vector<1x8x128xf32> to vector<8x128xf32>
    %swap3A_249 = vector.shape_cast %broadcast_in_dim3A_243 : vector<8x128xf32> to vector<1x8x128xf32>
    tpu.vector_store %arg8[%swap3A_244, %swap3A_245, %swap3A_246], %swap3A_249 {strides = array<i32>} : memref<4x8x128xf32, #tpu.memory_space<vmem>>, vector<1x8x128xf32>,
    %broadcast_in_dim3A_250 = vector.shape_cast %mul3A_163 : vector<256xf32> to vector<256x1xf32>
    %mul3A_251 = vector.broadcast %broadcast_in_dim3A_250 : vector<256x1xf32> to vector<256x128xf32>
    %mul3A_252 = arith.mulf %add3A_142, %mul3A_251 : vector<256x128xf32>
    %broadcast_in_dim3A_253 = vector.shape_cast %sub3A_169 : vector<256xf32> to vector<256x1xf32>
    %add3A_254 = vector.broadcast %broadcast_in_dim3A_253 : vector<256x1xf32> to vector<256x128xf32>
    %add3A_255 = arith.addf %mul3A_252, %add3A_254 : vector<256x128xf32>
    %max3A_256 = arith.constant 0.000000e+00 : f32
    %max3A_257 = vector.broadcast %max3A_256 : f32 to vector<256x128xf32>
    %max3A_258 = arith.maximumf %add3A_255, %max3A_257 : vector<256x128xf32>
    %swap3A_259 = arith.constant 3 : index
    %swap3A_260 = arith.constant 0 : index
    %swap3A_261 = arith.constant 0 : index
    %swap3A_262 = vector.load %arg7[%swap3A_259, %swap3A_260, %swap3A_261] : memref<4x256x128xf32, #tpu.memory_space<vmem>>, vector<1x256x128xf32>
    %swap3A_263 = vector.shape_cast %swap3A_262 : vector<1x256x128xf32> to vector<256x128xf32>
    %swap3A_264 = vector.shape_cast %max3A_258 : vector<256x128xf32> to vector<1x256x128xf32>
    tpu.vector_store %arg7[%swap3A_259, %swap3A_260, %swap3A_261], %swap3A_264 {strides = array<i32>} : memref<4x256x128xf32, #tpu.memory_space<vmem>>, vector<1x256x128xf32>,
    %mul3A_265 = arith.mulf %max3A_258, %max3A_258 : vector<256x128xf32>
    %reduce_sum3A_266 = arith.constant dense<0.000000e+00> : vector<128xf32>
    %reduce_sum3A_267 = vector.multi_reduction <add>, %mul3A_265, %reduce_sum3A_266 [0] : vector<256x128xf32> to vector<128xf32>
    %broadcast_in_dim3A_268 = vector.shape_cast %reduce_sum3A_267 : vector<128xf32> to vector<1x128xf32>
    %broadcast_in_dim3A_269 = vector.shape_cast %broadcast_in_dim3A_268 : vector<1x128xf32> to vector<1x128xf32>
    %broadcast_in_dim3A_270 = vector.broadcast %broadcast_in_dim3A_269 : vector<1x128xf32> to vector<8x128xf32>
    %swap3A_271 = arith.constant 3 : index
    %swap3A_272 = arith.constant 0 : index
    %swap3A_273 = arith.constant 0 : index
    %swap3A_274 = vector.load %arg8[%swap3A_271, %swap3A_272, %swap3A_273] : memref<4x8x128xf32, #tpu.memory_space<vmem>>, vector<1x8x128xf32>
    %swap3A_275 = vector.shape_cast %swap3A_274 : vector<1x8x128xf32> to vector<8x128xf32>
    %swap3A_276 = vector.shape_cast %broadcast_in_dim3A_270 : vector<8x128xf32> to vector<1x8x128xf32>
    tpu.vector_store %arg8[%swap3A_271, %swap3A_272, %swap3A_273], %swap3A_276 {strides = array<i32>} : memref<4x8x128xf32, #tpu.memory_space<vmem>>, vector<1x8x128xf32>,
    return
  }
  func.func @transform_0(%arg0: i32) -> (i32, i32, i32) {
    %c0_i32 = arith.constant 0 : i32
    %c0_i32_0 = arith.constant 0 : i32
    %c0_i32_1 = arith.constant 0 : i32
    return %arg0, %c0_i32, %c0_i32_0 : i32, i32, i32
  }
  func.func @transform_1(%arg0: i32) -> (i32, i32, i32) {
    %c0_i32 = arith.constant 0 : i32
    %c0_i32_0 = arith.constant 0 : i32
    %c0_i32_1 = arith.constant 0 : i32
    %c0_i32_2 = arith.constant 0 : i32
    return %c0_i32, %c0_i32_0, %c0_i32_1 : i32, i32, i32
  }
  func.func @transform_2(%arg0: i32) -> (i32, i32, i32) {
    %c0_i32 = arith.constant 0 : i32
    %c0_i32_0 = arith.constant 0 : i32
    %c0_i32_1 = arith.constant 0 : i32
    %c0_i32_2 = arith.constant 0 : i32
    return %c0_i32, %c0_i32_0, %c0_i32_1 : i32, i32, i32
  }
  func.func @transform_3(%arg0: i32) -> (i32, i32) {
    %c0_i32 = arith.constant 0 : i32
    %c0_i32_0 = arith.constant 0 : i32
    %c0_i32_1 = arith.constant 0 : i32
    return %c0_i32, %c0_i32_0 : i32, i32
  }
  func.func @transform_4(%arg0: i32) -> (i32, i32) {
    %c0_i32 = arith.constant 0 : i32
    %c0_i32_0 = arith.constant 0 : i32
    %c0_i32_1 = arith.constant 0 : i32
    return %c0_i32, %c0_i32_0 : i32, i32
  }
  func.func @transform_5(%arg0: i32) -> (i32, i32) {
    %c0_i32 = arith.constant 0 : i32
    %c0_i32_0 = arith.constant 0 : i32
    %c0_i32_1 = arith.constant 0 : i32
    return %c0_i32, %c0_i32_0 : i32, i32
  }
  func.func @transform_6(%arg0: i32) -> (i32, i32, i32) {
    %c0_i32 = arith.constant 0 : i32
    %c0_i32_0 = arith.constant 0 : i32
    %c0_i32_1 = arith.constant 0 : i32
    %c0_i32_2 = arith.constant 0 : i32
    return %c0_i32, %c0_i32_0, %c0_i32_1 : i32, i32, i32
  }
  func.func @transform_7(%arg0: i32) -> (i32, i32, i32) {
    %c0_i32 = arith.constant 0 : i32
    %c0_i32_0 = arith.constant 0 : i32
    %c0_i32_1 = arith.constant 0 : i32
    %c0_i32_2 = arith.constant 0 : i32
    return %c0_i32, %c0_i32_0, %c0_i32_1 : i32, i32, i32
  }
}

module attributes {stable_mosaic.version = 14 : i64} {
  func.func @_stage_a_body(%arg0: i32, %arg1: memref<1x256x2048xf32, #tpu.memory_space<vmem>>, %arg2: memref<3x256x256xf32, #tpu.memory_space<vmem>>, %arg3: memref<8x256xf32, #tpu.memory_space<vmem>>, %arg4: memref<8x256xf32, #tpu.memory_space<vmem>>, %arg5: memref<1x256x128xf32, #tpu.memory_space<vmem>>, %arg6: memref<1x8x128xf32, #tpu.memory_space<vmem>>, %arg7: memref<1x256x2048xf32, #tpu.memory_space<vmem>>, %arg8: memref<1x128x2048xf32, #tpu.memory_space<vmem>>) attributes {dimension_semantics = [#tpu.dimension_semantics<arbitrary>], iteration_bounds = array<i64: 4>, scalar_prefetch = 0 : i64, scratch_operands = 0 : i64, tpu.core_type = #tpu.core_type<tc>, window_params = [{transform_indices = @transform_0, window_bounds = array<i64: 1, 256, 2048>}, {pipeline_mode = #tpu.pipeline_mode<synchronous>, transform_indices = @transform_1, window_bounds = array<i64: 3, 256, 256>}, {pipeline_mode = #tpu.pipeline_mode<synchronous>, transform_indices = @transform_2, window_bounds = array<i64: 8, 256>}, {pipeline_mode = #tpu.pipeline_mode<synchronous>, transform_indices = @transform_3, window_bounds = array<i64: 8, 256>}, {transform_indices = @transform_4, window_bounds = array<i64: 1, 256, 128>}, {transform_indices = @transform_5, window_bounds = array<i64: 1, 8, 128>}, {transform_indices = @transform_6, window_bounds = array<i64: 1, 256, 2048>}, {transform_indices = @transform_7, window_bounds = array<i64: 1, 128, 2048>}]} {
    %get3A = arith.constant 0 : index
    %get3A_0 = arith.constant 0 : index
    %get3A_1 = arith.constant 0 : index
    %get3A_2 = vector.load %arg1[%get3A, %get3A_0, %get3A_1] : memref<1x256x2048xf32, #tpu.memory_space<vmem>>, vector<1x256x2048xf32>
    %get3A_3 = vector.shape_cast %get3A_2 : vector<1x256x2048xf32> to vector<256x2048xf32>
    %broadcast_in_dim3A = arith.constant 0.000000e+00 : f32
    %broadcast_in_dim3A_4 = vector.broadcast %broadcast_in_dim3A : f32 to vector<256x1xf32>
    %concatenate3A = tpu.concatenate %broadcast_in_dim3A_4, %get3A_3, %broadcast_in_dim3A_4 in 1 : vector<256x1xf32>, vector<256x2048xf32>, vector<256x1xf32> -> vector<256x2050xf32>
    %get3A_5 = arith.constant 0 : index
    %get3A_6 = arith.constant 0 : index
    %get3A_7 = arith.constant 0 : index
    %get3A_8 = vector.load %arg2[%get3A_5, %get3A_6, %get3A_7] : memref<3x256x256xf32, #tpu.memory_space<vmem>>, vector<1x256x256xf32>
    %get3A_9 = vector.shape_cast %get3A_8 : vector<1x256x256xf32> to vector<256x256xf32>
    %slice3A = vector.extract_strided_slice %concatenate3A {offsets = [0, 0], sizes = [256, 2048], strides = [1, 1]} : vector<256x2050xf32> to vector<256x2048xf32>
    %dot_general3A = arith.constant dense<0.000000e+00> : vector<256x2048xf32>
    %dot_general3A_10 = tpu.matmul %get3A_9, %slice3A, %dot_general3A {dimension_numbers = #tpu.dot_dimension_numbers<[1], [0], [0], [1], [0, 0, 1, 1], [], []>, transpose_lhs_hint = false} : vector<256x256xf32>, vector<256x2048xf32>, vector<256x2048xf32> -> vector<256x2048xf32>
    %get3A_11 = arith.constant 1 : index
    %get3A_12 = arith.constant 0 : index
    %get3A_13 = arith.constant 0 : index
    %get3A_14 = vector.load %arg2[%get3A_11, %get3A_12, %get3A_13] : memref<3x256x256xf32, #tpu.memory_space<vmem>>, vector<1x256x256xf32>
    %get3A_15 = vector.shape_cast %get3A_14 : vector<1x256x256xf32> to vector<256x256xf32>
    %slice3A_16 = vector.extract_strided_slice %concatenate3A {offsets = [0, 1], sizes = [256, 2048], strides = [1, 1]} : vector<256x2050xf32> to vector<256x2048xf32>
    %dot_general3A_17 = arith.constant dense<0.000000e+00> : vector<256x2048xf32>
    %dot_general3A_18 = tpu.matmul %get3A_15, %slice3A_16, %dot_general3A_17 {dimension_numbers = #tpu.dot_dimension_numbers<[1], [0], [0], [1], [0, 0, 1, 1], [], []>, transpose_lhs_hint = false} : vector<256x256xf32>, vector<256x2048xf32>, vector<256x2048xf32> -> vector<256x2048xf32>
    %add3A = arith.addf %dot_general3A_10, %dot_general3A_18 : vector<256x2048xf32>
    %get3A_19 = arith.constant 2 : index
    %get3A_20 = arith.constant 0 : index
    %get3A_21 = arith.constant 0 : index
    %get3A_22 = vector.load %arg2[%get3A_19, %get3A_20, %get3A_21] : memref<3x256x256xf32, #tpu.memory_space<vmem>>, vector<1x256x256xf32>
    %get3A_23 = vector.shape_cast %get3A_22 : vector<1x256x256xf32> to vector<256x256xf32>
    %slice3A_24 = vector.extract_strided_slice %concatenate3A {offsets = [0, 2], sizes = [256, 2048], strides = [1, 1]} : vector<256x2050xf32> to vector<256x2048xf32>
    %dot_general3A_25 = arith.constant dense<0.000000e+00> : vector<256x2048xf32>
    %dot_general3A_26 = tpu.matmul %get3A_23, %slice3A_24, %dot_general3A_25 {dimension_numbers = #tpu.dot_dimension_numbers<[1], [0], [0], [1], [0, 0, 1, 1], [], []>, transpose_lhs_hint = false} : vector<256x256xf32>, vector<256x2048xf32>, vector<256x2048xf32> -> vector<256x2048xf32>
    %add3A_27 = arith.addf %add3A, %dot_general3A_26 : vector<256x2048xf32>
    %get3A_28 = arith.constant 2 : index
    %get3A_29 = arith.constant 0 : index
    %get3A_30 = vector.load %arg4[%get3A_28, %get3A_29] : memref<8x256xf32, #tpu.memory_space<vmem>>, vector<1x256xf32>
    %get3A_31 = vector.shape_cast %get3A_30 : vector<1x256xf32> to vector<256xf32>
    %broadcast_in_dim3A_32 = vector.shape_cast %get3A_31 : vector<256xf32> to vector<256x1xf32>
    %add3A_33 = vector.broadcast %broadcast_in_dim3A_32 : vector<256x1xf32> to vector<256x2048xf32>
    %add3A_34 = arith.addf %add3A_27, %add3A_33 : vector<256x2048xf32>
    %get3A_35 = arith.constant 0 : index
    %get3A_36 = arith.constant 0 : index
    %get3A_37 = vector.load %arg3[%get3A_35, %get3A_36] : memref<8x256xf32, #tpu.memory_space<vmem>>, vector<1x256xf32>
    %get3A_38 = vector.shape_cast %get3A_37 : vector<1x256xf32> to vector<256xf32>
    %div3A = arith.constant 8.192000e+03 : f32
    %div3A_39 = vector.broadcast %div3A : f32 to vector<256xf32>
    %div3A_40 = arith.divf %get3A_38, %div3A_39 : vector<256xf32>
    %get3A_41 = arith.constant 1 : index
    %get3A_42 = arith.constant 0 : index
    %get3A_43 = vector.load %arg3[%get3A_41, %get3A_42] : memref<8x256xf32, #tpu.memory_space<vmem>>, vector<1x256xf32>
    %get3A_44 = vector.shape_cast %get3A_43 : vector<1x256xf32> to vector<256xf32>
    %div3A_45 = arith.constant 8.192000e+03 : f32
    %div3A_46 = vector.broadcast %div3A_45 : f32 to vector<256xf32>
    %div3A_47 = arith.divf %get3A_44, %div3A_46 : vector<256xf32>
    %mul3A = arith.mulf %div3A_40, %div3A_40 : vector<256xf32>
    %sub3A = arith.subf %div3A_47, %mul3A : vector<256xf32>
    %get3A_48 = arith.constant 0 : index
    %get3A_49 = arith.constant 0 : index
    %get3A_50 = vector.load %arg4[%get3A_48, %get3A_49] : memref<8x256xf32, #tpu.memory_space<vmem>>, vector<1x256xf32>
    %get3A_51 = vector.shape_cast %get3A_50 : vector<1x256xf32> to vector<256xf32>
    %add3A_52 = arith.constant 9.99999974E-6 : f32
    %add3A_53 = vector.broadcast %add3A_52 : f32 to vector<256xf32>
    %add3A_54 = arith.addf %sub3A, %add3A_53 : vector<256xf32>
    %rsqrt3A = math.rsqrt %add3A_54 : vector<256xf32>
    %mul3A_55 = arith.mulf %get3A_51, %rsqrt3A : vector<256xf32>
    %get3A_56 = arith.constant 1 : index
    %get3A_57 = arith.constant 0 : index
    %get3A_58 = vector.load %arg4[%get3A_56, %get3A_57] : memref<8x256xf32, #tpu.memory_space<vmem>>, vector<1x256xf32>
    %get3A_59 = vector.shape_cast %get3A_58 : vector<1x256xf32> to vector<256xf32>
    %mul3A_60 = arith.mulf %div3A_40, %mul3A_55 : vector<256xf32>
    %sub3A_61 = arith.subf %get3A_59, %mul3A_60 : vector<256xf32>
    %broadcast_in_dim3A_62 = vector.shape_cast %mul3A_55 : vector<256xf32> to vector<256x1xf32>
    %mul3A_63 = vector.broadcast %broadcast_in_dim3A_62 : vector<256x1xf32> to vector<256x2048xf32>
    %mul3A_64 = arith.mulf %add3A_34, %mul3A_63 : vector<256x2048xf32>
    %broadcast_in_dim3A_65 = vector.shape_cast %sub3A_61 : vector<256xf32> to vector<256x1xf32>
    %add3A_66 = vector.broadcast %broadcast_in_dim3A_65 : vector<256x1xf32> to vector<256x2048xf32>
    %add3A_67 = arith.addf %mul3A_64, %add3A_66 : vector<256x2048xf32>
    %max3A = arith.constant 0.000000e+00 : f32
    %max3A_68 = vector.broadcast %max3A : f32 to vector<256x2048xf32>
    %max3A_69 = arith.maximumf %add3A_67, %max3A_68 : vector<256x2048xf32>
    %swap3A = arith.constant 0 : index
    %swap3A_70 = arith.constant 0 : index
    %swap3A_71 = arith.constant 0 : index
    %swap3A_72 = vector.load %arg7[%swap3A, %swap3A_70, %swap3A_71] : memref<1x256x2048xf32, #tpu.memory_space<vmem>>, vector<1x256x2048xf32>
    %swap3A_73 = vector.shape_cast %swap3A_72 : vector<1x256x2048xf32> to vector<256x2048xf32>
    %swap3A_74 = vector.shape_cast %max3A_69 : vector<256x2048xf32> to vector<1x256x2048xf32>
    tpu.vector_store %arg7[%swap3A, %swap3A_70, %swap3A_71], %swap3A_74 {strides = array<i32>} : memref<1x256x2048xf32, #tpu.memory_space<vmem>>, vector<1x256x2048xf32>,
    %get3A_75 = arith.constant 0 : index
    %get3A_76 = arith.constant 0 : index
    %get3A_77 = arith.constant 0 : index
    %get3A_78 = vector.load %arg5[%get3A_75, %get3A_76, %get3A_77] : memref<1x256x128xf32, #tpu.memory_space<vmem>>, vector<1x256x128xf32>
    %get3A_79 = vector.shape_cast %get3A_78 : vector<1x256x128xf32> to vector<256x128xf32>
    %get3A_80 = arith.constant 0 : index
    %get3A_81 = arith.constant 0 : index
    %get3A_82 = arith.constant 0 : index
    %get3A_83 = vector.load %arg6[%get3A_80, %get3A_81, %get3A_82] : memref<1x8x128xf32, #tpu.memory_space<vmem>>, vector<1x1x128xf32>
    %get3A_84 = vector.shape_cast %get3A_83 : vector<1x1x128xf32> to vector<128xf32>
    %dot_general3A_85 = arith.constant dense<0.000000e+00> : vector<128x2048xf32>
    %dot_general3A_86 = tpu.matmul %get3A_79, %max3A_69, %dot_general3A_85 {dimension_numbers = #tpu.dot_dimension_numbers<[0], [0], [1], [1], [0, 1, 1, 1], [], []>, transpose_lhs_hint = false} : vector<256x128xf32>, vector<256x2048xf32>, vector<128x2048xf32> -> vector<128x2048xf32>
    %mul3A_87 = arith.mulf %max3A_69, %max3A_69 : vector<256x2048xf32>
    %reduce_sum3A = arith.constant dense<0.000000e+00> : vector<2048xf32>
    %reduce_sum3A_88 = vector.multi_reduction <add>, %mul3A_87, %reduce_sum3A [0] : vector<256x2048xf32> to vector<2048xf32>
    %mul3A_89 = arith.constant 2.000000e+00 : f32
    %mul3A_90 = vector.broadcast %mul3A_89 : f32 to vector<128x2048xf32>
    %mul3A_91 = arith.mulf %mul3A_90, %dot_general3A_86 : vector<128x2048xf32>
    %broadcast_in_dim3A_92 = vector.shape_cast %reduce_sum3A_88 : vector<2048xf32> to vector<1x2048xf32>
    %sub3A_93 = vector.broadcast %broadcast_in_dim3A_92 : vector<1x2048xf32> to vector<128x2048xf32>
    %sub3A_94 = arith.subf %mul3A_91, %sub3A_93 : vector<128x2048xf32>
    %broadcast_in_dim3A_95 = vector.shape_cast %get3A_84 : vector<128xf32> to vector<128x1xf32>
    %sub3A_96 = vector.broadcast %broadcast_in_dim3A_95 : vector<128x1xf32> to vector<128x2048xf32>
    %sub3A_97 = arith.subf %sub3A_94, %sub3A_96 : vector<128x2048xf32>
    %swap3A_98 = arith.constant 0 : index
    %swap3A_99 = arith.constant 0 : index
    %swap3A_100 = arith.constant 0 : index
    %swap3A_101 = vector.load %arg8[%swap3A_98, %swap3A_99, %swap3A_100] : memref<1x128x2048xf32, #tpu.memory_space<vmem>>, vector<1x128x2048xf32>
    %swap3A_102 = vector.shape_cast %swap3A_101 : vector<1x128x2048xf32> to vector<128x2048xf32>
    %swap3A_103 = vector.shape_cast %sub3A_97 : vector<128x2048xf32> to vector<1x128x2048xf32>
    tpu.vector_store %arg8[%swap3A_98, %swap3A_99, %swap3A_100], %swap3A_103 {strides = array<i32>} : memref<1x128x2048xf32, #tpu.memory_space<vmem>>, vector<1x128x2048xf32>,
    return
  }
  func.func @transform_0(%arg0: i32) -> (i32, i32, i32) {
    %c0_i32 = arith.constant 0 : i32
    %c0_i32_0 = arith.constant 0 : i32
    %c0_i32_1 = arith.constant 0 : i32
    return %arg0, %c0_i32, %c0_i32_0 : i32, i32, i32
  }
  func.func @transform_1(%arg0: i32) -> (i32, i32, i32) {
    %c0_i32 = arith.constant 0 : i32
    %c0_i32_0 = arith.constant 0 : i32
    %c0_i32_1 = arith.constant 0 : i32
    %c0_i32_2 = arith.constant 0 : i32
    return %c0_i32, %c0_i32_0, %c0_i32_1 : i32, i32, i32
  }
  func.func @transform_2(%arg0: i32) -> (i32, i32) {
    %c0_i32 = arith.constant 0 : i32
    %c0_i32_0 = arith.constant 0 : i32
    %c0_i32_1 = arith.constant 0 : i32
    return %c0_i32, %c0_i32_0 : i32, i32
  }
  func.func @transform_3(%arg0: i32) -> (i32, i32) {
    %c0_i32 = arith.constant 0 : i32
    %c0_i32_0 = arith.constant 0 : i32
    %c0_i32_1 = arith.constant 0 : i32
    return %c0_i32, %c0_i32_0 : i32, i32
  }
  func.func @transform_4(%arg0: i32) -> (i32, i32, i32) {
    %c0_i32 = arith.constant 0 : i32
    %c0_i32_0 = arith.constant 0 : i32
    %c0_i32_1 = arith.constant 0 : i32
    return %arg0, %c0_i32, %c0_i32_0 : i32, i32, i32
  }
  func.func @transform_5(%arg0: i32) -> (i32, i32, i32) {
    %c0_i32 = arith.constant 0 : i32
    %c0_i32_0 = arith.constant 0 : i32
    %c0_i32_1 = arith.constant 0 : i32
    return %arg0, %c0_i32, %c0_i32_0 : i32, i32, i32
  }
  func.func @transform_6(%arg0: i32) -> (i32, i32, i32) {
    %c0_i32 = arith.constant 0 : i32
    %c0_i32_0 = arith.constant 0 : i32
    %c0_i32_1 = arith.constant 0 : i32
    return %arg0, %c0_i32, %c0_i32_0 : i32, i32, i32
  }
  func.func @transform_7(%arg0: i32) -> (i32, i32, i32) {
    %c0_i32 = arith.constant 0 : i32
    %c0_i32_0 = arith.constant 0 : i32
    %c0_i32_1 = arith.constant 0 : i32
    return %arg0, %c0_i32, %c0_i32_0 : i32, i32, i32
  }
}

module attributes {stable_mosaic.version = 14 : i64} {
  func.func @_stage_b_body(%arg0: i32, %arg1: memref<1x256x2048xf32, #tpu.memory_space<vmem>>, %arg2: memref<1x8x2048xi32, #tpu.memory_space<vmem>>, %arg3: memref<1x256x128xf32, #tpu.memory_space<vmem>>, %arg4: memref<1x8x128xf32, #tpu.memory_space<vmem>>, %arg5: memref<128x256xf32, #tpu.memory_space<vmem>>, %arg6: memref<128x256xf32, #tpu.memory_space<vmem>>, %arg7: memref<8x256xf32, #tpu.memory_space<vmem>>, %arg8: memref<1x256x2048xf32, #tpu.memory_space<vmem>>, %arg9: memref<1x128x2048xf32, #tpu.memory_space<vmem>>) attributes {dimension_semantics = [#tpu.dimension_semantics<arbitrary>], iteration_bounds = array<i64: 4>, scalar_prefetch = 0 : i64, scratch_operands = 0 : i64, tpu.core_type = #tpu.core_type<tc>, window_params = [{transform_indices = @transform_0, window_bounds = array<i64: 1, 256, 2048>}, {transform_indices = @transform_1, window_bounds = array<i64: 1, 8, 2048>}, {transform_indices = @transform_2, window_bounds = array<i64: 1, 256, 128>}, {transform_indices = @transform_3, window_bounds = array<i64: 1, 8, 128>}, {pipeline_mode = #tpu.pipeline_mode<synchronous>, transform_indices = @transform_4, window_bounds = array<i64: 128, 256>}, {pipeline_mode = #tpu.pipeline_mode<synchronous>, transform_indices = @transform_5, window_bounds = array<i64: 128, 256>}, {pipeline_mode = #tpu.pipeline_mode<synchronous>, transform_indices = @transform_6, window_bounds = array<i64: 8, 256>}, {transform_indices = @transform_7, window_bounds = array<i64: 1, 256, 2048>}, {transform_indices = @transform_8, window_bounds = array<i64: 1, 128, 2048>}]} {
    %get3A = arith.constant 0 : index
    %get3A_0 = arith.constant 0 : index
    %get3A_1 = arith.constant 0 : index
    %get3A_2 = vector.load %arg1[%get3A, %get3A_0, %get3A_1] : memref<1x256x2048xf32, #tpu.memory_space<vmem>>, vector<1x256x2048xf32>
    %get3A_3 = vector.shape_cast %get3A_2 : vector<1x256x2048xf32> to vector<256x2048xf32>
    %get3A_4 = arith.constant 0 : index
    %get3A_5 = arith.constant 0 : index
    %get3A_6 = arith.constant 0 : index
    %get3A_7 = vector.load %arg2[%get3A_4, %get3A_5, %get3A_6] : memref<1x8x2048xi32, #tpu.memory_space<vmem>>, vector<1x8x2048xi32>
    %get3A_8 = vector.shape_cast %get3A_7 : vector<1x8x2048xi32> to vector<8x2048xi32>
    %get3A_9 = arith.constant 0 : index
    %get3A_10 = arith.constant 0 : index
    %get3A_11 = arith.constant 0 : index
    %get3A_12 = vector.load %arg3[%get3A_9, %get3A_10, %get3A_11] : memref<1x256x128xf32, #tpu.memory_space<vmem>>, vector<1x256x128xf32>
    %get3A_13 = vector.shape_cast %get3A_12 : vector<1x256x128xf32> to vector<256x128xf32>
    %get3A_14 = arith.constant 0 : index
    %get3A_15 = arith.constant 0 : index
    %get3A_16 = vector.load %arg5[%get3A_14, %get3A_15] : memref<128x256xf32, #tpu.memory_space<vmem>>, vector<128x256xf32>
    %get3A_17 = arith.constant 0 : index
    %get3A_18 = arith.constant 0 : index
    %get3A_19 = vector.load %arg6[%get3A_17, %get3A_18] : memref<128x256xf32, #tpu.memory_space<vmem>>, vector<128x256xf32>
    %get3A_20 = arith.constant 3 : index
    %get3A_21 = arith.constant 0 : index
    %get3A_22 = vector.load %arg7[%get3A_20, %get3A_21] : memref<8x256xf32, #tpu.memory_space<vmem>>, vector<1x256xf32>
    %get3A_23 = vector.shape_cast %get3A_22 : vector<1x256xf32> to vector<256xf32>
    %iota3A = tpu.iota {dimensions = array<i32: 1>} : vector<2048x128xi32>
    %broadcast_in_dim3A = arith.constant 0xFF800000 : f32
    %broadcast_in_dim3A_24 = vector.broadcast %broadcast_in_dim3A : f32 to vector<128x2048xf32>
    %slice3A = vector.extract_strided_slice %get3A_8 {offsets = [0, 0], sizes = [1, 2048], strides = [1, 1]} : vector<8x2048xi32> to vector<1x2048xi32>
    %squeeze3A = vector.shape_cast %slice3A : vector<1x2048xi32> to vector<2048xi32>
    %broadcast_in_dim3A_25 = vector.shape_cast %squeeze3A : vector<2048xi32> to vector<2048x1xi32>
    %eq3A = vector.broadcast %broadcast_in_dim3A_25 : vector<2048x1xi32> to vector<2048x128xi32>
    %eq3A_26 = arith.cmpi eq, %iota3A, %eq3A : vector<2048x128xi32>
    %convert_element_type3A = arith.extui %eq3A_26 : vector<2048x128xi1> to vector<2048x128xi32>
    %convert_element_type3A_27 = arith.sitofp %convert_element_type3A : vector<2048x128xi32> to vector<2048x128xf32>
    %dot_general3A = arith.constant dense<0.000000e+00> : vector<256x2048xf32>
    %dot_general3A_28 = tpu.matmul %get3A_13, %convert_element_type3A_27, %dot_general3A {dimension_numbers = #tpu.dot_dimension_numbers<[1], [1], [0], [0], [0, 0, 1, 0], [], []>, precision = #tpu.contract_precision<fp32>, transpose_lhs_hint = false} : vector<256x128xf32>, vector<2048x128xf32>, vector<256x2048xf32> -> vector<256x2048xf32>
    %sub3A = arith.subf %dot_general3A_28, %get3A_3 : vector<256x2048xf32>
    %dot_general3A_29 = arith.constant dense<0.000000e+00> : vector<128x2048xf32>
    %dot_general3A_30 = tpu.matmul %get3A_19, %sub3A, %dot_general3A_29 {dimension_numbers = #tpu.dot_dimension_numbers<[1], [0], [0], [1], [0, 0, 1, 1], [], []>, transpose_lhs_hint = false} : vector<128x256xf32>, vector<256x2048xf32>, vector<128x2048xf32> -> vector<128x2048xf32>
    %max3A = arith.maximumf %broadcast_in_dim3A_24, %dot_general3A_30 : vector<128x2048xf32>
    %slice3A_31 = vector.extract_strided_slice %get3A_8 {offsets = [1, 0], sizes = [1, 2048], strides = [1, 1]} : vector<8x2048xi32> to vector<1x2048xi32>
    %squeeze3A_32 = vector.shape_cast %slice3A_31 : vector<1x2048xi32> to vector<2048xi32>
    %broadcast_in_dim3A_33 = vector.shape_cast %squeeze3A_32 : vector<2048xi32> to vector<2048x1xi32>
    %eq3A_34 = vector.broadcast %broadcast_in_dim3A_33 : vector<2048x1xi32> to vector<2048x128xi32>
    %eq3A_35 = arith.cmpi eq, %iota3A, %eq3A_34 : vector<2048x128xi32>
    %convert_element_type3A_36 = arith.extui %eq3A_35 : vector<2048x128xi1> to vector<2048x128xi32>
    %convert_element_type3A_37 = arith.sitofp %convert_element_type3A_36 : vector<2048x128xi32> to vector<2048x128xf32>
    %dot_general3A_38 = arith.constant dense<0.000000e+00> : vector<256x2048xf32>
    %dot_general3A_39 = tpu.matmul %get3A_13, %convert_element_type3A_37, %dot_general3A_38 {dimension_numbers = #tpu.dot_dimension_numbers<[1], [1], [0], [0], [0, 0, 1, 0], [], []>, precision = #tpu.contract_precision<fp32>, transpose_lhs_hint = false} : vector<256x128xf32>, vector<2048x128xf32>, vector<256x2048xf32> -> vector<256x2048xf32>
    %sub3A_40 = arith.subf %dot_general3A_39, %get3A_3 : vector<256x2048xf32>
    %dot_general3A_41 = arith.constant dense<0.000000e+00> : vector<128x2048xf32>
    %dot_general3A_42 = tpu.matmul %get3A_19, %sub3A_40, %dot_general3A_41 {dimension_numbers = #tpu.dot_dimension_numbers<[1], [0], [0], [1], [0, 0, 1, 1], [], []>, transpose_lhs_hint = false} : vector<128x256xf32>, vector<256x2048xf32>, vector<128x2048xf32> -> vector<128x2048xf32>
    %max3A_43 = arith.maximumf %max3A, %dot_general3A_42 : vector<128x2048xf32>
    %slice3A_44 = vector.extract_strided_slice %get3A_8 {offsets = [2, 0], sizes = [1, 2048], strides = [1, 1]} : vector<8x2048xi32> to vector<1x2048xi32>
    %squeeze3A_45 = vector.shape_cast %slice3A_44 : vector<1x2048xi32> to vector<2048xi32>
    %broadcast_in_dim3A_46 = vector.shape_cast %squeeze3A_45 : vector<2048xi32> to vector<2048x1xi32>
    %eq3A_47 = vector.broadcast %broadcast_in_dim3A_46 : vector<2048x1xi32> to vector<2048x128xi32>
    %eq3A_48 = arith.cmpi eq, %iota3A, %eq3A_47 : vector<2048x128xi32>
    %convert_element_type3A_49 = arith.extui %eq3A_48 : vector<2048x128xi1> to vector<2048x128xi32>
    %convert_element_type3A_50 = arith.sitofp %convert_element_type3A_49 : vector<2048x128xi32> to vector<2048x128xf32>
    %dot_general3A_51 = arith.constant dense<0.000000e+00> : vector<256x2048xf32>
    %dot_general3A_52 = tpu.matmul %get3A_13, %convert_element_type3A_50, %dot_general3A_51 {dimension_numbers = #tpu.dot_dimension_numbers<[1], [1], [0], [0], [0, 0, 1, 0], [], []>, precision = #tpu.contract_precision<fp32>, transpose_lhs_hint = false} : vector<256x128xf32>, vector<2048x128xf32>, vector<256x2048xf32> -> vector<256x2048xf32>
    %sub3A_53 = arith.subf %dot_general3A_52, %get3A_3 : vector<256x2048xf32>
    %dot_general3A_54 = arith.constant dense<0.000000e+00> : vector<128x2048xf32>
    %dot_general3A_55 = tpu.matmul %get3A_19, %sub3A_53, %dot_general3A_54 {dimension_numbers = #tpu.dot_dimension_numbers<[1], [0], [0], [1], [0, 0, 1, 1], [], []>, transpose_lhs_hint = false} : vector<128x256xf32>, vector<256x2048xf32>, vector<128x2048xf32> -> vector<128x2048xf32>
    %max3A_56 = arith.maximumf %max3A_43, %dot_general3A_55 : vector<128x2048xf32>
    %slice3A_57 = vector.extract_strided_slice %get3A_8 {offsets = [3, 0], sizes = [1, 2048], strides = [1, 1]} : vector<8x2048xi32> to vector<1x2048xi32>
    %squeeze3A_58 = vector.shape_cast %slice3A_57 : vector<1x2048xi32> to vector<2048xi32>
    %broadcast_in_dim3A_59 = vector.shape_cast %squeeze3A_58 : vector<2048xi32> to vector<2048x1xi32>
    %eq3A_60 = vector.broadcast %broadcast_in_dim3A_59 : vector<2048x1xi32> to vector<2048x128xi32>
    %eq3A_61 = arith.cmpi eq, %iota3A, %eq3A_60 : vector<2048x128xi32>
    %convert_element_type3A_62 = arith.extui %eq3A_61 : vector<2048x128xi1> to vector<2048x128xi32>
    %convert_element_type3A_63 = arith.sitofp %convert_element_type3A_62 : vector<2048x128xi32> to vector<2048x128xf32>
    %dot_general3A_64 = arith.constant dense<0.000000e+00> : vector<256x2048xf32>
    %dot_general3A_65 = tpu.matmul %get3A_13, %convert_element_type3A_63, %dot_general3A_64 {dimension_numbers = #tpu.dot_dimension_numbers<[1], [1], [0], [0], [0, 0, 1, 0], [], []>, precision = #tpu.contract_precision<fp32>, transpose_lhs_hint = false} : vector<256x128xf32>, vector<2048x128xf32>, vector<256x2048xf32> -> vector<256x2048xf32>
    %sub3A_66 = arith.subf %dot_general3A_65, %get3A_3 : vector<256x2048xf32>
    %dot_general3A_67 = arith.constant dense<0.000000e+00> : vector<128x2048xf32>
    %dot_general3A_68 = tpu.matmul %get3A_19, %sub3A_66, %dot_general3A_67 {dimension_numbers = #tpu.dot_dimension_numbers<[1], [0], [0], [1], [0, 0, 1, 1], [], []>, transpose_lhs_hint = false} : vector<128x256xf32>, vector<256x2048xf32>, vector<128x2048xf32> -> vector<128x2048xf32>
    %max3A_69 = arith.maximumf %max3A_56, %dot_general3A_68 : vector<128x2048xf32>
    %slice3A_70 = vector.extract_strided_slice %get3A_8 {offsets = [4, 0], sizes = [1, 2048], strides = [1, 1]} : vector<8x2048xi32> to vector<1x2048xi32>
    %squeeze3A_71 = vector.shape_cast %slice3A_70 : vector<1x2048xi32> to vector<2048xi32>
    %broadcast_in_dim3A_72 = vector.shape_cast %squeeze3A_71 : vector<2048xi32> to vector<2048x1xi32>
    %eq3A_73 = vector.broadcast %broadcast_in_dim3A_72 : vector<2048x1xi32> to vector<2048x128xi32>
    %eq3A_74 = arith.cmpi eq, %iota3A, %eq3A_73 : vector<2048x128xi32>
    %convert_element_type3A_75 = arith.extui %eq3A_74 : vector<2048x128xi1> to vector<2048x128xi32>
    %convert_element_type3A_76 = arith.sitofp %convert_element_type3A_75 : vector<2048x128xi32> to vector<2048x128xf32>
    %dot_general3A_77 = arith.constant dense<0.000000e+00> : vector<256x2048xf32>
    %dot_general3A_78 = tpu.matmul %get3A_13, %convert_element_type3A_76, %dot_general3A_77 {dimension_numbers = #tpu.dot_dimension_numbers<[1], [1], [0], [0], [0, 0, 1, 0], [], []>, precision = #tpu.contract_precision<fp32>, transpose_lhs_hint = false} : vector<256x128xf32>, vector<2048x128xf32>, vector<256x2048xf32> -> vector<256x2048xf32>
    %sub3A_79 = arith.subf %dot_general3A_78, %get3A_3 : vector<256x2048xf32>
    %dot_general3A_80 = arith.constant dense<0.000000e+00> : vector<128x2048xf32>
    %dot_general3A_81 = tpu.matmul %get3A_19, %sub3A_79, %dot_general3A_80 {dimension_numbers = #tpu.dot_dimension_numbers<[1], [0], [0], [1], [0, 0, 1, 1], [], []>, transpose_lhs_hint = false} : vector<128x256xf32>, vector<256x2048xf32>, vector<128x2048xf32> -> vector<128x2048xf32>
    %max3A_82 = arith.maximumf %max3A_69, %dot_general3A_81 : vector<128x2048xf32>
    %slice3A_83 = vector.extract_strided_slice %get3A_8 {offsets = [5, 0], sizes = [1, 2048], strides = [1, 1]} : vector<8x2048xi32> to vector<1x2048xi32>
    %squeeze3A_84 = vector.shape_cast %slice3A_83 : vector<1x2048xi32> to vector<2048xi32>
    %broadcast_in_dim3A_85 = vector.shape_cast %squeeze3A_84 : vector<2048xi32> to vector<2048x1xi32>
    %eq3A_86 = vector.broadcast %broadcast_in_dim3A_85 : vector<2048x1xi32> to vector<2048x128xi32>
    %eq3A_87 = arith.cmpi eq, %iota3A, %eq3A_86 : vector<2048x128xi32>
    %convert_element_type3A_88 = arith.extui %eq3A_87 : vector<2048x128xi1> to vector<2048x128xi32>
    %convert_element_type3A_89 = arith.sitofp %convert_element_type3A_88 : vector<2048x128xi32> to vector<2048x128xf32>
    %dot_general3A_90 = arith.constant dense<0.000000e+00> : vector<256x2048xf32>
    %dot_general3A_91 = tpu.matmul %get3A_13, %convert_element_type3A_89, %dot_general3A_90 {dimension_numbers = #tpu.dot_dimension_numbers<[1], [1], [0], [0], [0, 0, 1, 0], [], []>, precision = #tpu.contract_precision<fp32>, transpose_lhs_hint = false} : vector<256x128xf32>, vector<2048x128xf32>, vector<256x2048xf32> -> vector<256x2048xf32>
    %sub3A_92 = arith.subf %dot_general3A_91, %get3A_3 : vector<256x2048xf32>
    %dot_general3A_93 = arith.constant dense<0.000000e+00> : vector<128x2048xf32>
    %dot_general3A_94 = tpu.matmul %get3A_19, %sub3A_92, %dot_general3A_93 {dimension_numbers = #tpu.dot_dimension_numbers<[1], [0], [0], [1], [0, 0, 1, 1], [], []>, transpose_lhs_hint = false} : vector<128x256xf32>, vector<256x2048xf32>, vector<128x2048xf32> -> vector<128x2048xf32>
    %max3A_95 = arith.maximumf %max3A_82, %dot_general3A_94 : vector<128x2048xf32>
    %dot_general3A_96 = arith.constant dense<0.000000e+00> : vector<128x2048xf32>
    %dot_general3A_97 = tpu.matmul %get3A_16, %get3A_3, %dot_general3A_96 {dimension_numbers = #tpu.dot_dimension_numbers<[1], [0], [0], [1], [0, 0, 1, 1], [], []>, transpose_lhs_hint = false} : vector<128x256xf32>, vector<256x2048xf32>, vector<128x2048xf32> -> vector<128x2048xf32>
    %slice3A_98 = vector.extract_strided_slice %get3A_23 {offsets = [0], sizes = [128], strides = [1]} : vector<256xf32> to vector<128xf32>
    %broadcast_in_dim3A_99 = vector.shape_cast %slice3A_98 : vector<128xf32> to vector<128x1xf32>
    %add3A = vector.broadcast %broadcast_in_dim3A_99 : vector<128x1xf32> to vector<128x2048xf32>
    %add3A_100 = arith.addf %dot_general3A_97, %add3A : vector<128x2048xf32>
    %slice3A_101 = vector.extract_strided_slice %get3A_23 {offsets = [128], sizes = [128], strides = [1]} : vector<256xf32> to vector<128xf32>
    %broadcast_in_dim3A_102 = vector.shape_cast %slice3A_101 : vector<128xf32> to vector<128x1xf32>
    %add3A_103 = vector.broadcast %broadcast_in_dim3A_102 : vector<128x1xf32> to vector<128x2048xf32>
    %add3A_104 = arith.addf %max3A_95, %add3A_103 : vector<128x2048xf32>
    %concatenate3A = tpu.concatenate %add3A_100, %add3A_104 in 0 : vector<128x2048xf32>, vector<128x2048xf32> -> vector<256x2048xf32>
    %add3A_105 = arith.addf %get3A_3, %concatenate3A : vector<256x2048xf32>
    %max3A_106 = arith.constant 0.000000e+00 : f32
    %max3A_107 = vector.broadcast %max3A_106 : f32 to vector<256x2048xf32>
    %max3A_108 = arith.maximumf %add3A_105, %max3A_107 : vector<256x2048xf32>
    %swap3A = arith.constant 0 : index
    %swap3A_109 = arith.constant 0 : index
    %swap3A_110 = arith.constant 0 : index
    %swap3A_111 = vector.load %arg8[%swap3A, %swap3A_109, %swap3A_110] : memref<1x256x2048xf32, #tpu.memory_space<vmem>>, vector<1x256x2048xf32>
    %swap3A_112 = vector.shape_cast %swap3A_111 : vector<1x256x2048xf32> to vector<256x2048xf32>
    %swap3A_113 = vector.shape_cast %max3A_108 : vector<256x2048xf32> to vector<1x256x2048xf32>
    tpu.vector_store %arg8[%swap3A, %swap3A_109, %swap3A_110], %swap3A_113 {strides = array<i32>} : memref<1x256x2048xf32, #tpu.memory_space<vmem>>, vector<1x256x2048xf32>,
    %get3A_114 = arith.constant 0 : index
    %get3A_115 = arith.constant 0 : index
    %get3A_116 = arith.constant 0 : index
    %get3A_117 = vector.load %arg3[%get3A_114, %get3A_115, %get3A_116] : memref<1x256x128xf32, #tpu.memory_space<vmem>>, vector<1x256x128xf32>
    %get3A_118 = vector.shape_cast %get3A_117 : vector<1x256x128xf32> to vector<256x128xf32>
    %get3A_119 = arith.constant 0 : index
    %get3A_120 = arith.constant 0 : index
    %get3A_121 = arith.constant 0 : index
    %get3A_122 = vector.load %arg4[%get3A_119, %get3A_120, %get3A_121] : memref<1x8x128xf32, #tpu.memory_space<vmem>>, vector<1x1x128xf32>
    %get3A_123 = vector.shape_cast %get3A_122 : vector<1x1x128xf32> to vector<128xf32>
    %dot_general3A_124 = arith.constant dense<0.000000e+00> : vector<128x2048xf32>
    %dot_general3A_125 = tpu.matmul %get3A_118, %max3A_108, %dot_general3A_124 {dimension_numbers = #tpu.dot_dimension_numbers<[0], [0], [1], [1], [0, 1, 1, 1], [], []>, transpose_lhs_hint = false} : vector<256x128xf32>, vector<256x2048xf32>, vector<128x2048xf32> -> vector<128x2048xf32>
    %mul3A = arith.mulf %max3A_108, %max3A_108 : vector<256x2048xf32>
    %reduce_sum3A = arith.constant dense<0.000000e+00> : vector<2048xf32>
    %reduce_sum3A_126 = vector.multi_reduction <add>, %mul3A, %reduce_sum3A [0] : vector<256x2048xf32> to vector<2048xf32>
    %mul3A_127 = arith.constant 2.000000e+00 : f32
    %mul3A_128 = vector.broadcast %mul3A_127 : f32 to vector<128x2048xf32>
    %mul3A_129 = arith.mulf %mul3A_128, %dot_general3A_125 : vector<128x2048xf32>
    %broadcast_in_dim3A_130 = vector.shape_cast %reduce_sum3A_126 : vector<2048xf32> to vector<1x2048xf32>
    %sub3A_131 = vector.broadcast %broadcast_in_dim3A_130 : vector<1x2048xf32> to vector<128x2048xf32>
    %sub3A_132 = arith.subf %mul3A_129, %sub3A_131 : vector<128x2048xf32>
    %broadcast_in_dim3A_133 = vector.shape_cast %get3A_123 : vector<128xf32> to vector<128x1xf32>
    %sub3A_134 = vector.broadcast %broadcast_in_dim3A_133 : vector<128x1xf32> to vector<128x2048xf32>
    %sub3A_135 = arith.subf %sub3A_132, %sub3A_134 : vector<128x2048xf32>
    %swap3A_136 = arith.constant 0 : index
    %swap3A_137 = arith.constant 0 : index
    %swap3A_138 = arith.constant 0 : index
    %swap3A_139 = vector.load %arg9[%swap3A_136, %swap3A_137, %swap3A_138] : memref<1x128x2048xf32, #tpu.memory_space<vmem>>, vector<1x128x2048xf32>
    %swap3A_140 = vector.shape_cast %swap3A_139 : vector<1x128x2048xf32> to vector<128x2048xf32>
    %swap3A_141 = vector.shape_cast %sub3A_135 : vector<128x2048xf32> to vector<1x128x2048xf32>
    tpu.vector_store %arg9[%swap3A_136, %swap3A_137, %swap3A_138], %swap3A_141 {strides = array<i32>} : memref<1x128x2048xf32, #tpu.memory_space<vmem>>, vector<1x128x2048xf32>,
    return
  }
  func.func @transform_0(%arg0: i32) -> (i32, i32, i32) {
    %c0_i32 = arith.constant 0 : i32
    %c0_i32_0 = arith.constant 0 : i32
    %c0_i32_1 = arith.constant 0 : i32
    return %arg0, %c0_i32, %c0_i32_0 : i32, i32, i32
  }
  func.func @transform_1(%arg0: i32) -> (i32, i32, i32) {
    %c0_i32 = arith.constant 0 : i32
    %c0_i32_0 = arith.constant 0 : i32
    %c0_i32_1 = arith.constant 0 : i32
    return %arg0, %c0_i32, %c0_i32_0 : i32, i32, i32
  }
  func.func @transform_2(%arg0: i32) -> (i32, i32, i32) {
    %c0_i32 = arith.constant 0 : i32
    %c0_i32_0 = arith.constant 0 : i32
    %c0_i32_1 = arith.constant 0 : i32
    return %arg0, %c0_i32, %c0_i32_0 : i32, i32, i32
  }
  func.func @transform_3(%arg0: i32) -> (i32, i32, i32) {
    %c0_i32 = arith.constant 0 : i32
    %c0_i32_0 = arith.constant 0 : i32
    %c0_i32_1 = arith.constant 0 : i32
    return %arg0, %c0_i32, %c0_i32_0 : i32, i32, i32
  }
  func.func @transform_4(%arg0: i32) -> (i32, i32) {
    %c0_i32 = arith.constant 0 : i32
    %c0_i32_0 = arith.constant 0 : i32
    %c0_i32_1 = arith.constant 0 : i32
    return %c0_i32, %c0_i32_0 : i32, i32
  }
  func.func @transform_5(%arg0: i32) -> (i32, i32) {
    %c0_i32 = arith.constant 0 : i32
    %c0_i32_0 = arith.constant 0 : i32
    %c0_i32_1 = arith.constant 0 : i32
    return %c0_i32, %c0_i32_0 : i32, i32
  }
  func.func @transform_6(%arg0: i32) -> (i32, i32) {
    %c0_i32 = arith.constant 0 : i32
    %c0_i32_0 = arith.constant 0 : i32
    %c0_i32_1 = arith.constant 0 : i32
    return %c0_i32, %c0_i32_0 : i32, i32
  }
  func.func @transform_7(%arg0: i32) -> (i32, i32, i32) {
    %c0_i32 = arith.constant 0 : i32
    %c0_i32_0 = arith.constant 0 : i32
    %c0_i32_1 = arith.constant 0 : i32
    return %arg0, %c0_i32, %c0_i32_0 : i32, i32, i32
  }
  func.func @transform_8(%arg0: i32) -> (i32, i32, i32) {
    %c0_i32 = arith.constant 0 : i32
    %c0_i32_0 = arith.constant 0 : i32
    %c0_i32_1 = arith.constant 0 : i32
    return %arg0, %c0_i32, %c0_i32_0 : i32, i32, i32
  }
}

module attributes {stable_mosaic.version = 14 : i64} {
  func.func @_stage_c_body(%arg0: i32, %arg1: memref<1x256x2048xf32, #tpu.memory_space<vmem>>, %arg2: memref<1x256x2048xf32, #tpu.memory_space<vmem>>, %arg3: memref<1x8x2048xi32, #tpu.memory_space<vmem>>, %arg4: memref<1x256x128xf32, #tpu.memory_space<vmem>>, %arg5: memref<128x256xf32, #tpu.memory_space<vmem>>, %arg6: memref<128x256xf32, #tpu.memory_space<vmem>>, %arg7: memref<8x256xf32, #tpu.memory_space<vmem>>, %arg8: memref<1x256x2048xf32, #tpu.memory_space<vmem>>) attributes {dimension_semantics = [#tpu.dimension_semantics<arbitrary>], iteration_bounds = array<i64: 4>, scalar_prefetch = 0 : i64, scratch_operands = 0 : i64, tpu.core_type = #tpu.core_type<tc>, window_params = [{transform_indices = @transform_0, window_bounds = array<i64: 1, 256, 2048>}, {transform_indices = @transform_1, window_bounds = array<i64: 1, 256, 2048>}, {transform_indices = @transform_2, window_bounds = array<i64: 1, 8, 2048>}, {transform_indices = @transform_3, window_bounds = array<i64: 1, 256, 128>}, {pipeline_mode = #tpu.pipeline_mode<synchronous>, transform_indices = @transform_4, window_bounds = array<i64: 128, 256>}, {pipeline_mode = #tpu.pipeline_mode<synchronous>, transform_indices = @transform_5, window_bounds = array<i64: 128, 256>}, {pipeline_mode = #tpu.pipeline_mode<synchronous>, transform_indices = @transform_6, window_bounds = array<i64: 8, 256>}, {transform_indices = @transform_7, window_bounds = array<i64: 1, 256, 2048>}]} {
    %get3A = arith.constant 0 : index
    %get3A_0 = arith.constant 0 : index
    %get3A_1 = arith.constant 0 : index
    %get3A_2 = vector.load %arg2[%get3A, %get3A_0, %get3A_1] : memref<1x256x2048xf32, #tpu.memory_space<vmem>>, vector<1x256x2048xf32>
    %get3A_3 = vector.shape_cast %get3A_2 : vector<1x256x2048xf32> to vector<256x2048xf32>
    %get3A_4 = arith.constant 0 : index
    %get3A_5 = arith.constant 0 : index
    %get3A_6 = arith.constant 0 : index
    %get3A_7 = vector.load %arg3[%get3A_4, %get3A_5, %get3A_6] : memref<1x8x2048xi32, #tpu.memory_space<vmem>>, vector<1x8x2048xi32>
    %get3A_8 = vector.shape_cast %get3A_7 : vector<1x8x2048xi32> to vector<8x2048xi32>
    %get3A_9 = arith.constant 0 : index
    %get3A_10 = arith.constant 0 : index
    %get3A_11 = arith.constant 0 : index
    %get3A_12 = vector.load %arg4[%get3A_9, %get3A_10, %get3A_11] : memref<1x256x128xf32, #tpu.memory_space<vmem>>, vector<1x256x128xf32>
    %get3A_13 = vector.shape_cast %get3A_12 : vector<1x256x128xf32> to vector<256x128xf32>
    %get3A_14 = arith.constant 0 : index
    %get3A_15 = arith.constant 0 : index
    %get3A_16 = vector.load %arg5[%get3A_14, %get3A_15] : memref<128x256xf32, #tpu.memory_space<vmem>>, vector<128x256xf32>
    %get3A_17 = arith.constant 0 : index
    %get3A_18 = arith.constant 0 : index
    %get3A_19 = vector.load %arg6[%get3A_17, %get3A_18] : memref<128x256xf32, #tpu.memory_space<vmem>>, vector<128x256xf32>
    %get3A_20 = arith.constant 4 : index
    %get3A_21 = arith.constant 0 : index
    %get3A_22 = vector.load %arg7[%get3A_20, %get3A_21] : memref<8x256xf32, #tpu.memory_space<vmem>>, vector<1x256xf32>
    %get3A_23 = vector.shape_cast %get3A_22 : vector<1x256xf32> to vector<256xf32>
    %iota3A = tpu.iota {dimensions = array<i32: 1>} : vector<2048x128xi32>
    %broadcast_in_dim3A = arith.constant 0xFF800000 : f32
    %broadcast_in_dim3A_24 = vector.broadcast %broadcast_in_dim3A : f32 to vector<128x2048xf32>
    %slice3A = vector.extract_strided_slice %get3A_8 {offsets = [0, 0], sizes = [1, 2048], strides = [1, 1]} : vector<8x2048xi32> to vector<1x2048xi32>
    %squeeze3A = vector.shape_cast %slice3A : vector<1x2048xi32> to vector<2048xi32>
    %broadcast_in_dim3A_25 = vector.shape_cast %squeeze3A : vector<2048xi32> to vector<2048x1xi32>
    %eq3A = vector.broadcast %broadcast_in_dim3A_25 : vector<2048x1xi32> to vector<2048x128xi32>
    %eq3A_26 = arith.cmpi eq, %iota3A, %eq3A : vector<2048x128xi32>
    %convert_element_type3A = arith.extui %eq3A_26 : vector<2048x128xi1> to vector<2048x128xi32>
    %convert_element_type3A_27 = arith.sitofp %convert_element_type3A : vector<2048x128xi32> to vector<2048x128xf32>
    %dot_general3A = arith.constant dense<0.000000e+00> : vector<256x2048xf32>
    %dot_general3A_28 = tpu.matmul %get3A_13, %convert_element_type3A_27, %dot_general3A {dimension_numbers = #tpu.dot_dimension_numbers<[1], [1], [0], [0], [0, 0, 1, 0], [], []>, precision = #tpu.contract_precision<fp32>, transpose_lhs_hint = false} : vector<256x128xf32>, vector<2048x128xf32>, vector<256x2048xf32> -> vector<256x2048xf32>
    %sub3A = arith.subf %dot_general3A_28, %get3A_3 : vector<256x2048xf32>
    %dot_general3A_29 = arith.constant dense<0.000000e+00> : vector<128x2048xf32>
    %dot_general3A_30 = tpu.matmul %get3A_19, %sub3A, %dot_general3A_29 {dimension_numbers = #tpu.dot_dimension_numbers<[1], [0], [0], [1], [0, 0, 1, 1], [], []>, transpose_lhs_hint = false} : vector<128x256xf32>, vector<256x2048xf32>, vector<128x2048xf32> -> vector<128x2048xf32>
    %max3A = arith.maximumf %broadcast_in_dim3A_24, %dot_general3A_30 : vector<128x2048xf32>
    %slice3A_31 = vector.extract_strided_slice %get3A_8 {offsets = [1, 0], sizes = [1, 2048], strides = [1, 1]} : vector<8x2048xi32> to vector<1x2048xi32>
    %squeeze3A_32 = vector.shape_cast %slice3A_31 : vector<1x2048xi32> to vector<2048xi32>
    %broadcast_in_dim3A_33 = vector.shape_cast %squeeze3A_32 : vector<2048xi32> to vector<2048x1xi32>
    %eq3A_34 = vector.broadcast %broadcast_in_dim3A_33 : vector<2048x1xi32> to vector<2048x128xi32>
    %eq3A_35 = arith.cmpi eq, %iota3A, %eq3A_34 : vector<2048x128xi32>
    %convert_element_type3A_36 = arith.extui %eq3A_35 : vector<2048x128xi1> to vector<2048x128xi32>
    %convert_element_type3A_37 = arith.sitofp %convert_element_type3A_36 : vector<2048x128xi32> to vector<2048x128xf32>
    %dot_general3A_38 = arith.constant dense<0.000000e+00> : vector<256x2048xf32>
    %dot_general3A_39 = tpu.matmul %get3A_13, %convert_element_type3A_37, %dot_general3A_38 {dimension_numbers = #tpu.dot_dimension_numbers<[1], [1], [0], [0], [0, 0, 1, 0], [], []>, precision = #tpu.contract_precision<fp32>, transpose_lhs_hint = false} : vector<256x128xf32>, vector<2048x128xf32>, vector<256x2048xf32> -> vector<256x2048xf32>
    %sub3A_40 = arith.subf %dot_general3A_39, %get3A_3 : vector<256x2048xf32>
    %dot_general3A_41 = arith.constant dense<0.000000e+00> : vector<128x2048xf32>
    %dot_general3A_42 = tpu.matmul %get3A_19, %sub3A_40, %dot_general3A_41 {dimension_numbers = #tpu.dot_dimension_numbers<[1], [0], [0], [1], [0, 0, 1, 1], [], []>, transpose_lhs_hint = false} : vector<128x256xf32>, vector<256x2048xf32>, vector<128x2048xf32> -> vector<128x2048xf32>
    %max3A_43 = arith.maximumf %max3A, %dot_general3A_42 : vector<128x2048xf32>
    %slice3A_44 = vector.extract_strided_slice %get3A_8 {offsets = [2, 0], sizes = [1, 2048], strides = [1, 1]} : vector<8x2048xi32> to vector<1x2048xi32>
    %squeeze3A_45 = vector.shape_cast %slice3A_44 : vector<1x2048xi32> to vector<2048xi32>
    %broadcast_in_dim3A_46 = vector.shape_cast %squeeze3A_45 : vector<2048xi32> to vector<2048x1xi32>
    %eq3A_47 = vector.broadcast %broadcast_in_dim3A_46 : vector<2048x1xi32> to vector<2048x128xi32>
    %eq3A_48 = arith.cmpi eq, %iota3A, %eq3A_47 : vector<2048x128xi32>
    %convert_element_type3A_49 = arith.extui %eq3A_48 : vector<2048x128xi1> to vector<2048x128xi32>
    %convert_element_type3A_50 = arith.sitofp %convert_element_type3A_49 : vector<2048x128xi32> to vector<2048x128xf32>
    %dot_general3A_51 = arith.constant dense<0.000000e+00> : vector<256x2048xf32>
    %dot_general3A_52 = tpu.matmul %get3A_13, %convert_element_type3A_50, %dot_general3A_51 {dimension_numbers = #tpu.dot_dimension_numbers<[1], [1], [0], [0], [0, 0, 1, 0], [], []>, precision = #tpu.contract_precision<fp32>, transpose_lhs_hint = false} : vector<256x128xf32>, vector<2048x128xf32>, vector<256x2048xf32> -> vector<256x2048xf32>
    %sub3A_53 = arith.subf %dot_general3A_52, %get3A_3 : vector<256x2048xf32>
    %dot_general3A_54 = arith.constant dense<0.000000e+00> : vector<128x2048xf32>
    %dot_general3A_55 = tpu.matmul %get3A_19, %sub3A_53, %dot_general3A_54 {dimension_numbers = #tpu.dot_dimension_numbers<[1], [0], [0], [1], [0, 0, 1, 1], [], []>, transpose_lhs_hint = false} : vector<128x256xf32>, vector<256x2048xf32>, vector<128x2048xf32> -> vector<128x2048xf32>
    %max3A_56 = arith.maximumf %max3A_43, %dot_general3A_55 : vector<128x2048xf32>
    %slice3A_57 = vector.extract_strided_slice %get3A_8 {offsets = [3, 0], sizes = [1, 2048], strides = [1, 1]} : vector<8x2048xi32> to vector<1x2048xi32>
    %squeeze3A_58 = vector.shape_cast %slice3A_57 : vector<1x2048xi32> to vector<2048xi32>
    %broadcast_in_dim3A_59 = vector.shape_cast %squeeze3A_58 : vector<2048xi32> to vector<2048x1xi32>
    %eq3A_60 = vector.broadcast %broadcast_in_dim3A_59 : vector<2048x1xi32> to vector<2048x128xi32>
    %eq3A_61 = arith.cmpi eq, %iota3A, %eq3A_60 : vector<2048x128xi32>
    %convert_element_type3A_62 = arith.extui %eq3A_61 : vector<2048x128xi1> to vector<2048x128xi32>
    %convert_element_type3A_63 = arith.sitofp %convert_element_type3A_62 : vector<2048x128xi32> to vector<2048x128xf32>
    %dot_general3A_64 = arith.constant dense<0.000000e+00> : vector<256x2048xf32>
    %dot_general3A_65 = tpu.matmul %get3A_13, %convert_element_type3A_63, %dot_general3A_64 {dimension_numbers = #tpu.dot_dimension_numbers<[1], [1], [0], [0], [0, 0, 1, 0], [], []>, precision = #tpu.contract_precision<fp32>, transpose_lhs_hint = false} : vector<256x128xf32>, vector<2048x128xf32>, vector<256x2048xf32> -> vector<256x2048xf32>
    %sub3A_66 = arith.subf %dot_general3A_65, %get3A_3 : vector<256x2048xf32>
    %dot_general3A_67 = arith.constant dense<0.000000e+00> : vector<128x2048xf32>
    %dot_general3A_68 = tpu.matmul %get3A_19, %sub3A_66, %dot_general3A_67 {dimension_numbers = #tpu.dot_dimension_numbers<[1], [0], [0], [1], [0, 0, 1, 1], [], []>, transpose_lhs_hint = false} : vector<128x256xf32>, vector<256x2048xf32>, vector<128x2048xf32> -> vector<128x2048xf32>
    %max3A_69 = arith.maximumf %max3A_56, %dot_general3A_68 : vector<128x2048xf32>
    %slice3A_70 = vector.extract_strided_slice %get3A_8 {offsets = [4, 0], sizes = [1, 2048], strides = [1, 1]} : vector<8x2048xi32> to vector<1x2048xi32>
    %squeeze3A_71 = vector.shape_cast %slice3A_70 : vector<1x2048xi32> to vector<2048xi32>
    %broadcast_in_dim3A_72 = vector.shape_cast %squeeze3A_71 : vector<2048xi32> to vector<2048x1xi32>
    %eq3A_73 = vector.broadcast %broadcast_in_dim3A_72 : vector<2048x1xi32> to vector<2048x128xi32>
    %eq3A_74 = arith.cmpi eq, %iota3A, %eq3A_73 : vector<2048x128xi32>
    %convert_element_type3A_75 = arith.extui %eq3A_74 : vector<2048x128xi1> to vector<2048x128xi32>
    %convert_element_type3A_76 = arith.sitofp %convert_element_type3A_75 : vector<2048x128xi32> to vector<2048x128xf32>
    %dot_general3A_77 = arith.constant dense<0.000000e+00> : vector<256x2048xf32>
    %dot_general3A_78 = tpu.matmul %get3A_13, %convert_element_type3A_76, %dot_general3A_77 {dimension_numbers = #tpu.dot_dimension_numbers<[1], [1], [0], [0], [0, 0, 1, 0], [], []>, precision = #tpu.contract_precision<fp32>, transpose_lhs_hint = false} : vector<256x128xf32>, vector<2048x128xf32>, vector<256x2048xf32> -> vector<256x2048xf32>
    %sub3A_79 = arith.subf %dot_general3A_78, %get3A_3 : vector<256x2048xf32>
    %dot_general3A_80 = arith.constant dense<0.000000e+00> : vector<128x2048xf32>
    %dot_general3A_81 = tpu.matmul %get3A_19, %sub3A_79, %dot_general3A_80 {dimension_numbers = #tpu.dot_dimension_numbers<[1], [0], [0], [1], [0, 0, 1, 1], [], []>, transpose_lhs_hint = false} : vector<128x256xf32>, vector<256x2048xf32>, vector<128x2048xf32> -> vector<128x2048xf32>
    %max3A_82 = arith.maximumf %max3A_69, %dot_general3A_81 : vector<128x2048xf32>
    %slice3A_83 = vector.extract_strided_slice %get3A_8 {offsets = [5, 0], sizes = [1, 2048], strides = [1, 1]} : vector<8x2048xi32> to vector<1x2048xi32>
    %squeeze3A_84 = vector.shape_cast %slice3A_83 : vector<1x2048xi32> to vector<2048xi32>
    %broadcast_in_dim3A_85 = vector.shape_cast %squeeze3A_84 : vector<2048xi32> to vector<2048x1xi32>
    %eq3A_86 = vector.broadcast %broadcast_in_dim3A_85 : vector<2048x1xi32> to vector<2048x128xi32>
    %eq3A_87 = arith.cmpi eq, %iota3A, %eq3A_86 : vector<2048x128xi32>
    %convert_element_type3A_88 = arith.extui %eq3A_87 : vector<2048x128xi1> to vector<2048x128xi32>
    %convert_element_type3A_89 = arith.sitofp %convert_element_type3A_88 : vector<2048x128xi32> to vector<2048x128xf32>
    %dot_general3A_90 = arith.constant dense<0.000000e+00> : vector<256x2048xf32>
    %dot_general3A_91 = tpu.matmul %get3A_13, %convert_element_type3A_89, %dot_general3A_90 {dimension_numbers = #tpu.dot_dimension_numbers<[1], [1], [0], [0], [0, 0, 1, 0], [], []>, precision = #tpu.contract_precision<fp32>, transpose_lhs_hint = false} : vector<256x128xf32>, vector<2048x128xf32>, vector<256x2048xf32> -> vector<256x2048xf32>
    %sub3A_92 = arith.subf %dot_general3A_91, %get3A_3 : vector<256x2048xf32>
    %dot_general3A_93 = arith.constant dense<0.000000e+00> : vector<128x2048xf32>
    %dot_general3A_94 = tpu.matmul %get3A_19, %sub3A_92, %dot_general3A_93 {dimension_numbers = #tpu.dot_dimension_numbers<[1], [0], [0], [1], [0, 0, 1, 1], [], []>, transpose_lhs_hint = false} : vector<128x256xf32>, vector<256x2048xf32>, vector<128x2048xf32> -> vector<128x2048xf32>
    %max3A_95 = arith.maximumf %max3A_82, %dot_general3A_94 : vector<128x2048xf32>
    %dot_general3A_96 = arith.constant dense<0.000000e+00> : vector<128x2048xf32>
    %dot_general3A_97 = tpu.matmul %get3A_16, %get3A_3, %dot_general3A_96 {dimension_numbers = #tpu.dot_dimension_numbers<[1], [0], [0], [1], [0, 0, 1, 1], [], []>, transpose_lhs_hint = false} : vector<128x256xf32>, vector<256x2048xf32>, vector<128x2048xf32> -> vector<128x2048xf32>
    %slice3A_98 = vector.extract_strided_slice %get3A_23 {offsets = [0], sizes = [128], strides = [1]} : vector<256xf32> to vector<128xf32>
    %broadcast_in_dim3A_99 = vector.shape_cast %slice3A_98 : vector<128xf32> to vector<128x1xf32>
    %add3A = vector.broadcast %broadcast_in_dim3A_99 : vector<128x1xf32> to vector<128x2048xf32>
    %add3A_100 = arith.addf %dot_general3A_97, %add3A : vector<128x2048xf32>
    %slice3A_101 = vector.extract_strided_slice %get3A_23 {offsets = [128], sizes = [128], strides = [1]} : vector<256xf32> to vector<128xf32>
    %broadcast_in_dim3A_102 = vector.shape_cast %slice3A_101 : vector<128xf32> to vector<128x1xf32>
    %add3A_103 = vector.broadcast %broadcast_in_dim3A_102 : vector<128x1xf32> to vector<128x2048xf32>
    %add3A_104 = arith.addf %max3A_95, %add3A_103 : vector<128x2048xf32>
    %concatenate3A = tpu.concatenate %add3A_100, %add3A_104 in 0 : vector<128x2048xf32>, vector<128x2048xf32> -> vector<256x2048xf32>
    %add3A_105 = arith.addf %get3A_3, %concatenate3A : vector<256x2048xf32>
    %max3A_106 = arith.constant 0.000000e+00 : f32
    %max3A_107 = vector.broadcast %max3A_106 : f32 to vector<256x2048xf32>
    %max3A_108 = arith.maximumf %add3A_105, %max3A_107 : vector<256x2048xf32>
    %get3A_109 = arith.constant 0 : index
    %get3A_110 = arith.constant 0 : index
    %get3A_111 = arith.constant 0 : index
    %get3A_112 = vector.load %arg1[%get3A_109, %get3A_110, %get3A_111] : memref<1x256x2048xf32, #tpu.memory_space<vmem>>, vector<1x256x2048xf32>
    %get3A_113 = vector.shape_cast %get3A_112 : vector<1x256x2048xf32> to vector<256x2048xf32>
    %add3A_114 = arith.addf %max3A_108, %get3A_113 : vector<256x2048xf32>
    %swap3A = arith.constant 0 : index
    %swap3A_115 = arith.constant 0 : index
    %swap3A_116 = arith.constant 0 : index
    %swap3A_117 = vector.load %arg8[%swap3A, %swap3A_115, %swap3A_116] : memref<1x256x2048xf32, #tpu.memory_space<vmem>>, vector<1x256x2048xf32>
    %swap3A_118 = vector.shape_cast %swap3A_117 : vector<1x256x2048xf32> to vector<256x2048xf32>
    %swap3A_119 = vector.shape_cast %add3A_114 : vector<256x2048xf32> to vector<1x256x2048xf32>
    tpu.vector_store %arg8[%swap3A, %swap3A_115, %swap3A_116], %swap3A_119 {strides = array<i32>} : memref<1x256x2048xf32, #tpu.memory_space<vmem>>, vector<1x256x2048xf32>,
    return
  }
  func.func @transform_0(%arg0: i32) -> (i32, i32, i32) {
    %c0_i32 = arith.constant 0 : i32
    %c0_i32_0 = arith.constant 0 : i32
    %c0_i32_1 = arith.constant 0 : i32
    return %arg0, %c0_i32, %c0_i32_0 : i32, i32, i32
  }
  func.func @transform_1(%arg0: i32) -> (i32, i32, i32) {
    %c0_i32 = arith.constant 0 : i32
    %c0_i32_0 = arith.constant 0 : i32
    %c0_i32_1 = arith.constant 0 : i32
    return %arg0, %c0_i32, %c0_i32_0 : i32, i32, i32
  }
  func.func @transform_2(%arg0: i32) -> (i32, i32, i32) {
    %c0_i32 = arith.constant 0 : i32
    %c0_i32_0 = arith.constant 0 : i32
    %c0_i32_1 = arith.constant 0 : i32
    return %arg0, %c0_i32, %c0_i32_0 : i32, i32, i32
  }
  func.func @transform_3(%arg0: i32) -> (i32, i32, i32) {
    %c0_i32 = arith.constant 0 : i32
    %c0_i32_0 = arith.constant 0 : i32
    %c0_i32_1 = arith.constant 0 : i32
    return %arg0, %c0_i32, %c0_i32_0 : i32, i32, i32
  }
  func.func @transform_4(%arg0: i32) -> (i32, i32) {
    %c0_i32 = arith.constant 0 : i32
    %c0_i32_0 = arith.constant 0 : i32
    %c0_i32_1 = arith.constant 0 : i32
    return %c0_i32, %c0_i32_0 : i32, i32
  }
  func.func @transform_5(%arg0: i32) -> (i32, i32) {
    %c0_i32 = arith.constant 0 : i32
    %c0_i32_0 = arith.constant 0 : i32
    %c0_i32_1 = arith.constant 0 : i32
    return %c0_i32, %c0_i32_0 : i32, i32
  }
  func.func @transform_6(%arg0: i32) -> (i32, i32) {
    %c0_i32 = arith.constant 0 : i32
    %c0_i32_0 = arith.constant 0 : i32
    %c0_i32_1 = arith.constant 0 : i32
    return %c0_i32, %c0_i32_0 : i32, i32
  }
  func.func @transform_7(%arg0: i32) -> (i32, i32, i32) {
    %c0_i32 = arith.constant 0 : i32
    %c0_i32_0 = arith.constant 0 : i32
    %c0_i32_1 = arith.constant 0 : i32
    return %arg0, %c0_i32, %c0_i32_0 : i32, i32, i32
  }
}

</mosaic_0001>

<sc_bundles>
// kernel: kernel.11.cloned.1.call-start
scs
__scs_entry_jumppad:
0x0: {  	(pc) =	sbr.rel $0x88, $3  }
0x1: {  	(tag) =	ssettag $0x0;
	lr =	simm.s32 $0x1  }
0x2: {  	[smem:$0x3F93] =	sst lr;
	_ =	strace $0xD0000000  }
0x3: {  	_ = 	snop  }
0x4: {  	_ = 	snop  }
0x5: {  	_ = 	snop  }
0x6: {  	_ = 	snop  }
0x7: {  	_ = 	snop  }
__scs_overlays_trampoline_lowered:
0x8: {  	[smem:$0x3FA2] =	sst s0  }
0x9: {  	[smem:$0x3FA3] =	sst s1  }
0xa: {  	[smem:$0x3FA4] =	sst s2  }
0xb: {  	[smem:$0x3FA5] =	sst s3  }
0xc: {  	[smem:$0x3FA6] =	sst s4  }
0xd: {  	[smem:$0x3FA7] =	sst s5  }
0xe: {  	[smem:$0x3FA8] =	sst s6  }
0xf: {  	[smem:$0x3FA9] =	sst s7  }
0x10: {  	[smem:$0x3FAA] =	sst s8  }
0x11: {  	[smem:$0x3FAB] =	sst s9;
	s0 =	simm.s32 @!p0 $0x0  }
0x12: {  	s1 =	sld [smem:$0x3F91];
	s0 =	simm.s32 @p0 $0x1  }
0x13: {  	[smem:$0x3FAC] =	sst s0;
	s0 =	simm.s32 @!p1 $0x0  }
0x14: {  	s2 =	sld [smem:$0x3F90];
	s0 =	simm.s32 @p1 $0x1  }
0x15: {  	[smem:$0x3FAD] =	sst s0;
	s0 =	simm.s32 @!p2 $0x0  }
0x16: {  	s3 =	sld [smem:$0x3FDB];
	s0 =	simm.s32 @p2 $0x1  }
0x17: {  	s4 =	simm.s32 $0x1BF5;
	[smem:$0x3FAF] =	sst s0  }
0x18: {  	s0 =	sld [smem:$0x3F92];
	_ =	swait.ge [sflag:s4], $0x0  }
0x19: {  	s7 =	sld [smem:$0x3F93]  }
0x1a: {  	s8 =	sadd.s32 $0xFFFFE003, lr  }
0x1b: {  	s9 =	sadd.s32 $0xFFFFFEF7, lr;
	s5 =	simm.s32 $0xFFFFFFFF;
	p2 =	slt.u32 s8, $0xFFFFF086  }
0x1c: {  	p1 =	slt.u32 s9, $0xF7A;
	s5 =	simm.s32 @!p2 $0x0  }
0x1d: {  	s5 =	simm.s32 @p1 $0x1;
	p0 =	seq.s32 s7, s2  }
0x1e: {  	s7 =	smul.u32 @!p0 $0xF7A, s2;
	p2 =	seq.s32 @!p0 s5, $0x0  }
0x1f: {  	s9 =	smul.u32 $0xF7A, s1;
	s8 =	simm.s32 @!p0 $0x1BF5;
	p2 =	por !p2, p0  }
0x20: {  	[sflag:s8] =	ssyncset.s32 @!p0 $0xFFFFF086;
	s6 =	sadd.s32 @!p0 s3, s7;
	s7 =	simm.s32 @!p0 $0x108  }
0x21: {  	s3 =	sadd.s32 s3, s9;
	s6 =	sadd.s32 @!p0 $0x88, s6;
	s7 =	simm.s32 @p2 $0x1082  }
0x22: {  	[simem:s7], [sflag:s8] =	dma.local @!p0 [hbm:s6], $0xF7A  }
0x23: {  	s9 =	sor.u32 $0xD0000000, s2;
	s6 =	simm.s32 $0x108;
	_ =	swait.ge @!p0 [sflag:s8], $0x0  }
0x24: {  	s3 =	sadd.s32 $0x88, s3;
	s6 =	simm.s32 @!p1 $0x1082;
	[sflag:s4] =	ssyncset.s32 $0xFFFFF086  }
0x25: {  	[simem:s6], [sflag:s4] =	dma.local [hbm:s3], $0xF7A  }
0x26: {  	[smem:$0x3F93] =	sst s1;
	(tag) =	ssettag s2;
	_ =	strace s9  }
0x27: {  	s1 =	sld [smem:$0x3FA3]  }
0x28: {  	s2 =	sld [smem:$0x3FA4]  }
0x29: {  	s4 =	sld [smem:$0x3FA6]  }
0x2a: {  	p0 =	seq.s32 s5, $0x0;
	s5 =	sld [smem:$0x3FA7]  }
0x2b: {  	s6 =	sld [smem:$0x3FA8]  }
0x2c: {  	s7 =	sld [smem:$0x3FA9]  }
0x2d: {  	s3 =	simm.s32 $0x108;
	s8 =	sld [smem:$0x3FAA]  }
0x2e: {  	s3 =	simm.s32 @!p0 $0x1082;
	s9 =	sld [smem:$0x3FAB]  }
0x2f: {  	lr =	sadd.s32 s0, s3;
	s0 =	sld [smem:$0x3FA2]  }
0x30: {  	s3 =	sld [smem:$0x3FA5]  }
0x31: {  	[smem:$0x3FAE] =	sst s10  }
0x32: {  	s10 =	sld [smem:$0x3FAC];
	_ =	sdelay $0x3  }
0x33: {  	p0 =	seq.s32 s10, $0x1;
	s10 =	sld [smem:$0x3FAE];
	_ =	sdelay $0x3  }
0x34: {  	[smem:$0x3FAE] =	sst s10  }
0x35: {  	s10 =	sld [smem:$0x3FAD];
	_ =	sdelay $0x3  }
0x36: {  	p1 =	seq.s32 s10, $0x1;
	s10 =	sld [smem:$0x3FAE];
	_ =	sdelay $0x3  }
0x37: {  	[smem:$0x3FAE] =	sst s10  }
0x38: {  	s10 =	sld [smem:$0x3FAF]  }
0x39: {  	_ = 	snop;
	(pc) =	sbr.ind lr, $3  }
0x3a: {  	_ = 	snop  }
0x3b: {  	_ = 	snop  }
0x3c: {  	p2 =	seq.s32 s10, $0x1;
	s10 =	sld [smem:$0x3FAE]  }
0x3d: {  	_ =	shalt  }
0x3e: {  	_ =	shalt  }
0x3f: {  	_ =	shalt  }
0x40: {  	_ =	shalt  }
0x41: {  	_ =	shalt  }
0x42: {  	_ =	shalt  }
0x43: {  	_ =	shalt  }
0x44: {  	_ =	shalt  }
0x45: {  	_ =	shalt  }
0x46: {  	_ =	shalt  }
0x47: {  	_ =	shalt  }
0x48: {  	_ =	shalt  }
0x49: {  	_ =	shalt  }
0x4a: {  	_ =	shalt  }
0x4b: {  	_ =	shalt  }
0x4c: {  	_ =	shalt  }
0x4d: {  	_ =	shalt  }
0x4e: {  	_ =	shalt  }
0x4f: {  	_ =	shalt  }
0x50: {  	_ =	shalt  }
0x51: {  	_ =	shalt  }
0x52: {  	_ =	shalt  }
0x53: {  	_ =	shalt  }
0x54: {  	_ =	shalt  }
0x55: {  	_ =	shalt  }
0x56: {  	_ =	shalt  }
0x57: {  	_ =	shalt  }
0x58: {  	_ =	shalt  }
0x59: {  	_ =	shalt  }
0x5a: {  	_ =	shalt  }
0x5b: {  	_ =	shalt  }
0x5c: {  	_ =	shalt  }
0x5d: {  	_ =	shalt  }
0x5e: {  	_ =	shalt  }
0x5f: {  	_ =	shalt  }
0x60: {  	_ =	shalt  }
0x61: {  	_ =	shalt  }
0x62: {  	_ =	shalt  }
0x63: {  	_ =	shalt  }
0x64: {  	_ =	shalt  }
0x65: {  	_ =	shalt  }
0x66: {  	_ =	shalt  }
0x67: {  	_ =	shalt  }
0x68: {  	_ =	shalt  }
0x69: {  	_ =	shalt  }
0x6a: {  	_ =	shalt  }
0x6b: {  	_ =	shalt  }
0x6c: {  	_ =	shalt  }
0x6d: {  	_ =	shalt  }
0x6e: {  	_ =	shalt  }
0x6f: {  	_ =	shalt  }
0x70: {  	_ =	shalt  }
0x71: {  	_ =	shalt  }
0x72: {  	_ =	shalt  }
0x73: {  	_ =	shalt  }
0x74: {  	_ =	shalt  }
0x75: {  	_ =	shalt  }
0x76: {  	_ =	shalt  }
0x77: {  	_ =	shalt  }
0x78: {  	_ =	shalt  }
0x79: {  	_ =	shalt  }
0x7a: {  	_ =	shalt  }
0x7b: {  	_ =	shalt  }
0x7c: {  	_ =	shalt  }
0x7d: {  	_ =	shalt  }
0x7e: {  	_ =	shalt  }
0x7f: {  	_ =	shalt  }
0x80: {  	_ =	shalt  }
0x81: {  	_ =	shalt  }
0x82: {  	_ =	shalt  }
0x83: {  	_ =	shalt  }
0x84: {  	_ =	shalt  }
0x85: {  	_ =	shalt  }
0x86: {  	_ =	shalt  }
0x87: {  	_ =	shalt  }
.Lfunc_end0:
.L_simem_size_0:
called_computation.1_lowered:
.L_overlay_start_0:
0x88: {  	s2 =	sld [smem:$0x3FD9]  }
0x89: {  	s3 =	sld [smem:$0x3FFE];
	_ =	sdelay $0x1  }
0x8a: {  	s1 =	srdreg.scid  }
0x8b: {  	s0 =	sand.u32 $0x1, s1  }
0x8c: {  	s16 =	sshll.u32 s0, $0xA;
	s2 =	sadd.s32 s3, s2  }
0x8d: {  	s2 =	sadd.s32 s2, s16  }
0x8e: {  	[smem:$0x3FBA] =	sst s2  }
0x8f: {  	_ = 	snop  }
0x90: {  	(tm) =	ssettm $0x1  }
0x91: {  	s17 =	sld [smem:$0x3FFB];
	_ =	sdelay $0x3  }
0x92: {  	_ =	strace s17  }
0x93: {  	s2 =	sld [smem:$0x3FFC];
	_ =	sdelay $0x3  }
0x94: {  	_ =	strace s2  }
0x95: {  	s2 =	sld [smem:$0x3FFD];
	_ =	sdelay $0x3  }
0x96: {  	_ =	strace s2  }
0x97: {  	_ =	strace $0x8FFFFFFF  }
0x98: {  	s18 =	sld [smem:$0x3FDB];
	_ =	sdelay $0x1  }
0x99: {  	s19 =	simm.s32 $_scs_section_size  }
0x9a: {  	s4 =	simm.s32 $_size__tile_overlayer_lowered;
	s5 =	simm.s32 $_tile_overlayer_lowered  }
0x9b: {  	s22 =	simm.s32 $0x1BFF;
	s21 =	sshll.u32 s5, $0x1;
	s2 =	sadd.s32 s19, s18  }
0x9c: {  	s6 =	simm.s32 $0x0;
	s20 =	sshll.u32 s4, $0x1;
	s4 =	sadd.s32 s21, s2  }
0x9d: {  	[timem:s6], [sflag:s22] =	dma.local [hbm:s4], s20  }
0x9e: {  	_ =	swait.ge [sflag:s22], s20  }
0x9f: {  	s3 =	ssub.s32 $0x0, s20;
	[sflag:s22] =	ssyncset.done $0x0  }
0xa0: {  	[sflag:s22] =	ssyncadd.s32 s3;
	_ =	sdelay $0x1  }
0xa1: {  	s23 =	simm.s32 $0x1B8B  }
0xa2: {  	_ =	swait.ge [sflag:s23], $0x1  }
0xa3: {  	[sflag:s23] =	ssyncset.done $0x0  }
0xa4: {  	s25 =	simm.s32 $0x1B8E;
	s24 =	sld [smem:$0x3FFE];
	[sflag:s23] =	ssyncadd.s32 $0xFFFFFFFF  }
0xa5: {  	s26 =	simm.s32 $execute0_lowered;
	[smem:$0x3FD2] =	sst s25  }
0xa6: {  	s4 =	sshll.u32 s26, $0x1;
	_ =	strace $0x80000049;
	[dreg:$0x1] =	wrdreg $0xFFFFFFFF  }
0xa7: {  	s28 =	simm.s32 $_size_execute0_lowered;
	s2 =	sadd.s32 s2, s4;
	[dreg:$0x0] =	wrdreg $0x0  }
0xa8: {  	s4 =	sshll.u32 s28, $0x1;
	[dreg:$0x2] =	wrdreg s2  }
0xa9: {  	[dreg:$0x3] =	wrdreg s4  }
0xaa: {  	[dreg:$0x4] =	wrdreg $0xC0  }
0xab: {  	_ =	task [dreg:s6], $0x5FFFF  }
0xac: {  	[dreg:$0x1] =	wrdreg $0xFFFFFFFF  }
0xad: {  	[dreg:$0x0] =	wrdreg $0x60  }
0xae: {  	[dreg:$0x2] =	wrdreg s24  }
0xaf: {  	[dreg:$0x3] =	wrdreg $0x9  }
0xb0: {  	_ =	task.clear_ibuf [dreg:s6], $0x4FFFF;
	_ =	strace $0x90000049  }
0xb1: {  	s29 =	simm.s32 $0x9;
	_ =	strace $0x8000004B  }
0xb2: {  	_ =	swait.ge [sflag:s29], $0x1  }
0xb3: {  	[sflag:s29] =	ssyncadd.s32 $0xFFFFFFFF  }
0xb4: {  	_ =	strace $0x9000004B  }
0xb5: {  	_ =	sfence  }
0xb6: {  	s30 =	sld [smem:$0x0];
	_ =	sdelay $0x2  }
0xb7: {  	s31 =	sshll.u32 s1, $0xD;
	s1 =	sshrl.u32 s1, $0x2  }
0xb8: {  	s3 =	sand.u32 $0x4000, s31;
	s1 =	sadd.s32 s1, s30  }
0xb9: {  	s0 =	sor.u32 s3, s0;
	s1 =	sshll.u32 s1, $0x11  }
0xba: {  	s0 =	sor.u32 s1, s0  }
0xbb: {  	s0 =	sadd.s32 $0x8F2B, s0  }
0xbc: {  	[sflag:s0] =	ssyncadd.remote.s32 $0x1  }
0xbd: {  	_ =	sfence.sel $0xFFFF  }
0xbe: {  	[dreg:$0x0] =	wrdreg $0xFFFFFFFF;
	(pc) =	sbr.abs _section_cstart, $3  }
0xbf: {  	[dreg:$0x1] =	wrdreg $0xFFFFFFFF  }
0xc0: {  	_ =	task.clear_ibuf [dreg:s6], $0x2FFFF;
	_ =	strace $0x9FFFFFFF  }
0xc1: {  	(tm) =	ssettm $0x7FFFFFFF  }
tec
execute0_lowered:
.L_overlay_start_1:
0x0: {  	(tag) =	ssettag $0x1  }
0x1: {  	s3 =	rddreg [dreg:$0x0];
	s1 =	stileid.u32  }
0x2: {  	s0 =	rddreg [dreg:$0x1];
	s4 =	srdreg.scid;
	s2 =	simm.s32 $0x0  }
0x3: {  	s8 =	simm.s32 $0x1;
	s9 =	simm.s32 $0x8000;
	s5 =	sshll.u32 s1, $0x1  }
0x4: {  	s10 =	simm.s32 $0x0;
	s4 =	sand.u32 $0x1, s4;
	s5 =	sand.u32 $0x6, s5  }
0x5: {  	[smem:$0x7FF] =	sst s2;
	s6 =	sshrl.u32 s1, $0x2;
	s5 =	sor.u32 s4, s5  }
0x6: {  	s7 =	sshll.u32 s6, $0x12;
	s6 =	sshll.u32 s6, $0xE;
	s5 =	sshll.u32 s5, $0xB  }
0x7: {  	_ =	strace $0x8000004A;
	s4 =	ssub.s32 $0x2, s4;
	s7 =	sor.u32 s7, s5  }
0x8: {  	s30 =	sshrl.u32 s4, $0x1;
	s5 =	sor.u32 s6, s5;
	s29 =	sshrl.u32 s7, $0x3  }
0x9: {  	s31 =	ssub.s32 s4, s30;
	s5 =	sshrl.u32 s5, $0x3;
	s6 =	sadd.s32 s29, s3  }
0xa: {  	s7 =	simm.s32 $0x4000;
	s5 =	sadd.s32 s5, s3;
	s3 =	sadd.s32 $0x3800, s6  }
0xb: {  	v0 =	vimm.s32 $0x0;
	s4 =	sadd.s32 $0x23800, s5;
	s5 =	smax.u32 s31, $0x1;
	s6 =	simm.s32 $0x800  }
.LBB2_1:
0xc: {  	[tilespmem:s2], [sflag:$0x1] =	stream.strided.gather [hbm4b:s3+s6], $0x8000, s7, s6, $0x38;
	[tilespmem:$0x8800] =	vst v63  }
0xd: {  	_ =	swait.ge [sflag:s8], $0x8000  }
0xe: {  	[sflag:s8] =	ssyncset.done $0x0  }
0xf: {  	s11 =	simm.s32 $0x0;
	[sflag:s8] =	ssyncadd.s32 $0xFFFF8000  }
.LBB2_2:
0x10: {  	s12 =	sshll.u32 s11, $0x4  }
0x11: {  	s14 =	sand.u32 $0x70, s12  }
0x12: {  	v1 =	vmov s14  }
0x13: {  	s13 =	sshll.u32 s11, $0x7;
	s16 =	simm.s32 $0x0  }
0x14: {  	s15 =	sand.u32 $0x400, s13;
	s17 =	sand.u32 $0x7800, s16  }
0x15: {  	s18 =	sand.u32 $0x380, s16;
	s17 =	sor.u32 s17, s15  }
0x16: {  	s28 =	simm.s32 $0x100;
	s17 =	sadd.s32 s18, s17  }
0x17: {  	s29 =	simm.s32 $0x80;
	v5 =	vld.idx.msk [tilespmem:v1+s17+$0x0 ss:$0x1], $0xffff;
	s17 =	sand.u32 $0x7800, s28  }
0x18: {  	s18 =	sand.u32 $0x380, s29;
	s17 =	sor.u32 s17, s15  }
0x19: {  	s17 =	sadd.s32 s18, s17  }
0x1a: {  	v4 =	vld.idx.msk [tilespmem:v1+s17+$0x0 ss:$0x1], $0xffff  }
0x1b: {  	v2 =	vimm.f32 $-Inf  }
0x1c: {  	vm0 =	vgt.f32 v5, v2  }
0x1d: {  	s30 =	simm.s32 $0x200;
	v3 =	vimm.s32 $0x0;
	vm0 =	vmmov vm0  }
0x1e: {  	v18 =	vimm.s32 $0x0;
	s31 =	sand.u32 $0x7800, s30;
	s17 =	simm.s32 $0x100;
	v6 =	vsel vm0, v2, v5;
	v9 =	vsel vm0, v5, v2  }
0x1f: {  	s18 =	sor.u32 s31, s15;
	s19 =	sand.u32 $0x380, s17;
	vm3 =	vmmov vm0;
	vm2 =	vgt.f32 v6, v2;
	vm1 =	vgt.f32 v4, v9  }
0x20: {  	s18 =	sadd.s32 s19, s18;
	v11 =	vnsel vm3, s16, v3;
	v10 =	vsel vm3, s16, v3;
	v5 =	vsel vm2, v2, v6  }
0x21: {  	v13 =	vld.idx.msk [tilespmem:v1+s18+$0x0 ss:$0x1], $0xffff;
	v7 =	vsel vm2, v6, v2;
	v8 =	vsel vm2, v11, v3;
	vm0 =	vgt.f32 v5, v2  }
0x22: {  	vm1 =	vmmov vm1;
	v17 =	vsel vm2, v3, v11;
	v6 =	vsel vm0, v2, v5  }
0x23: {  	v11 =	vsel vm0, v5, v2;
	v12 =	vsel vm0, v3, v17;
	vm2 =	vgt.f32 v6, v2  }
0x24: {  	v5 =	vsel vm1, v4, v9;
	v15 =	vsel vm2, v2, v6;
	v16 =	vsel vm2, v3, v12  }
0x25: {  	v14 =	vsel vm2, v6, v2;
	v12 =	vsel vm2, v12, v3;
	vm3 =	vgt.f32 v15, v2  }
0x26: {  	s20 =	simm.s32 $0x300;
	vm2 =	vgt.f32 v13, v5;
	v6 =	vsel vm3, v16, v3;
	v20 =	vsel vm3, v2, v15  }
0x27: {  	s19 =	simm.s32 $0x3;
	s18 =	simm.s32 $0x1;
	s16 =	simm.s32 $0x2;
	v19 =	vsel vm3, v3, v16;
	v15 =	vsel vm3, v15, v2;
	vm3 =	vgt.f32 v20, v2;
	v16 =	vmovc v8  }
.LBB2_3:
0x28: {  	s21 =	sand.u32 $0x7800, s20;
	v21 =	vsel vm1, v9, v4  }
0x29: {  	p0 =	sne.s32 s19, $0x7F;
	s17 =	sadd.s32 $0x80, s17;
	v2 =	vsel vm3, v20, v2;
	v3 =	vsel vm3, v19, v3;
	v4 =	vmovc v13;
	v9 =	vmovc v5;
	vm3 =	vmmov vm1;
	s22 =	smov.u32 s19  }
0x2a: {  	s19 =	sadd.s32 $0x1, s19;
	v18 =	vsel vm0, v17, v18;
	s23 =	sand.u32 $0x380, s17;
	s21 =	sor.u32 s21, s15;
	v19 =	vnsel vm3, s18, v10;
	vm4 =	vgt.f32 v21, v7  }
0x2b: {  	s21 =	sadd.s32 s23, s21;
	v8 =	vsel vm4, v19, v8;
	v17 =	vsel vm4, v7, v21;
	v7 =	vsel vm4, v21, v7  }
0x2c: {  	vm1 =	vmmov vm2;
	v13 =	vld.idx.msk [tilespmem:v1+s21+$0x0 ss:$0x1], $0xffff;
	vm0 =	vgt.f32 v17, v11  }
0x2d: {  	v10 =	vsel vm3, s18, v10;
	s18 =	smov.u32 s16;
	s16 =	smov.u32 s22;
	v20 =	vsel vm0, v11, v17;
	v11 =	vsel vm0, v17, v11  }
.Ltmp0:
0x2e: {  	v5 =	vsel vm1, v4, v5;
	v17 =	vsel vm4, v16, v19;
	v16 =	vmovc v8;
	vm2 =	vgt.f32 v20, v14;
	(pc) =	sbr.rel @p0 .LBB2_3-.Ltmp0, $4  }
0x2f: {  	v19 =	vsel vm0, v18, v17;
	v21 =	vsel vm2, v14, v20;
	v14 =	vsel vm2, v20, v14  }
0x30: {  	v22 =	vsel vm2, v12, v19;
	v12 =	vsel vm2, v19, v12;
	vm3 =	vgt.f32 v21, v15  }
0x31: {  	v20 =	vsel vm3, v15, v21;
	v19 =	vsel vm3, v6, v22;
	v6 =	vsel vm3, v22, v6  }
0x32: {  	s20 =	sadd.s32 $0x100, s20;
	vm2 =	vgt.f32 v13, v5;
	v15 =	vsel vm3, v21, v15;
	vm3 =	vgt.f32 v20, v2  }
0x33: {  	v1 =	vsel vm1, v9, v4  }
0x34: {  	v2 =	vsel vm3, v20, v2;
	vm14 =	vmmov vm1;
	v3 =	vsel vm3, v19, v3  }
0x35: {  	v17 =	vsel vm0, v17, v18;
	vm2 =	vmmov vm2;
	vm4 =	vgt.f32 v1, v7  }
0x36: {  	v47 =	vnsel vm14, s18, v10;
	v50 =	vsel vm14, s18, v10;
	v5 =	vsel vm2, v5, v13  }
0x37: {  	vm2 =	vmmov vm2;
	v9 =	vsel vm4, v7, v1;
	v1 =	vsel vm4, v1, v7  }
0x38: {  	v48 =	vsel vm4, v47, v8;
	v4 =	vsel vm4, v16, v47;
	v58 =	vnsel vm2, s16, v50  }
0x39: {  	v59 =	vsel vm2, s16, v50;
	vm15 =	vgt.f32 v9, v11;
	vm10 =	vgt.f32 v5, v1  }
0x3a: {  	v49 =	vsel vm15, v11, v9;
	v9 =	vsel vm15, v9, v11;
	v51 =	vsel vm15, v17, v4  }
0x3b: {  	v1 =	vsel vm10, v1, v5;
	v4 =	vsel vm15, v4, v17;
	v60 =	vsel vm10, v58, v48  }
0x3c: {  	v5 =	vsel vm10, v48, v58;
	vm8 =	vgt.f32 v49, v14;
	vm12 =	vgt.f32 v1, v9  }
0x3d: {  	v52 =	vsel vm8, v14, v49;
	v8 =	vsel vm8, v49, v14;
	v53 =	vsel vm8, v12, v51  }
0x3e: {  	v11 =	vsel vm8, v51, v12;
	v1 =	vsel vm12, v9, v1;
	v61 =	vsel vm12, v4, v5  }
0x3f: {  	s14 =	sadd.s32 s14, s15;
	v4 =	vsel vm12, v5, v4;
	vm9 =	vgt.f32 v52, v15;
	vm13 =	vgt.f32 v1, v8  }
0x40: {  	[tilespmem:s14+$0x8300] =	vst v0;
	v54 =	vsel vm9, v53, v6;
	v55 =	vsel vm9, v15, v52;
	v56 =	vsel vm9, v6, v53  }
0x41: {  	s11 =	sadd.s32 $0x1, s11;
	[tilespmem:s14+$0x8000] =	vst v59;
	v57 =	vsel vm9, v52, v15;
	v1 =	vsel vm13, v8, v1;
	v62 =	vsel vm13, v61, v11  }
0x42: {  	p0 =	sne.s32 s11, $0x10;
	[tilespmem:s14+$0x8080] =	vst v60;
	v6 =	vsel vm13, v11, v61;
	vm11 =	vgt.f32 v55, v2;
	vm14 =	vgt.f32 v1, v57  }
.Ltmp1:
0x43: {  	[tilespmem:s14+$0x8100] =	vst v4;
	v2 =	vsel vm11, v55, v2;
	v3 =	vsel vm11, v56, v3;
	v1 =	vsel vm14, v57, v1;
	(pc) =	sbr.rel @p0 .LBB2_2-.Ltmp1, $4  }
0x44: {  	[tilespmem:s14+$0x8180] =	vst v62;
	v63 =	vsel vm14, v6, v54;
	v6 =	vsel vm14, v54, v6;
	vm15 =	vgt.f32 v1, v2  }
0x45: {  	s12 =	sor.u32 s13, s12;
	[tilespmem:s14+$0x8200] =	vst v63;
	v1 =	vsel vm15, v6, v3  }
0x46: {  	s12 =	sor.u32 $0x380, s12;
	[tilespmem:s14+$0x8280] =	vst v1  }
0x47: {  	[tilespmem:s12+$0x8000] =	vst v0  }
0x48: {  	s10 =	sadd.s32 $0x1, s10  }
0x49: {  	p0 =	sne.s32 s10, s5  }
.Ltmp2:
0x4a: {  	_ = 	snop;
	(pc) =	sbr.rel @p0 .LBB2_1-.Ltmp2, $4  }
0x4b: {  	[hbm4b:s4+s2] =	stream.linear.scatter [tilespmem:s9], [sflag:$0x1], $0x800, $0x38;
	[tilespmem:$0x8800] =	vst v63  }
0x4c: {  	_ =	swait.ge [sflag:s8], $0x800  }
0x4d: {  	[sflag:s8] =	ssyncset.done $0x0  }
0x4e: {  	[sflag:s8] =	ssyncadd.s32 $0xFFFFF800  }
0x4f: {  	_ =	sfence.sel $0x180000  }
0x50: {  	[bflag:$0x0] =	sbarrier.arrive $0xFFFF  }
0x51: {  	p0 =	sne.s32 s1, $0x0;
	_ =	strace $0x9000004A  }
0x52: {  	s0 =	sadd.s32 @!p0 $0x100000, s0;
	[bflag:$0x2] =	sbarrier.arrive $0xFFFF  }
0x53: {  	[sflag:s0] =	ssyncadd.tile.s32 @!p0 $0x1;
	_ =	shalt  }
.Lfunc_end2:
_tile_overlayer_lowered:
.L_overlay_start_2:
0x54: {  	(tag) =	ssettag $0x2  }
0x55: {  	s0 =	rddreg [dreg:$0x0];
	s2 =	stileid.u32  }
0x56: {  	s1 =	rddreg [dreg:$0x1];
	p0 =	sne.s32 s2, $0x0  }
0x57: {  	s3 =	rddreg [dreg:$0x2];
	[bflag:$0x3] =	sbarrier.arrive $0xFFFF;
	s2 =	simm.s32 @!p0 $0x1C01  }
0x58: {  	[timem:s3], [sflag:s2] =	dma.local @!p0 [hbm:s0], s1  }
0x59: {  	s0 =	simm.s32 @!p0 $0x1  }
0x5a: {  	_ =	swait.ge @!p0 [sflag:s0], s1  }
0x5b: {  	s1 =	ssub.s32 @!p0 $0x0, s1;
	[sflag:s0] =	ssyncset.done @!p0 $0x0  }
0x5c: {  	[sflag:s0] =	ssyncadd.s32 @!p0 s1  }
0x5d: {  	[bflag:$0x3] =	sbarrier.arrive $0xFFFF  }
0x5e: {  	_ =	shalt  }

// kernel: kernel.8.cloned.1.call-start
scs
__scs_entry_jumppad:
0x0: {  	(pc) =	sbr.rel $0x88, $3  }
0x1: {  	(tag) =	ssettag $0x0;
	lr =	simm.s32 $0x1  }
0x2: {  	[smem:$0x3F93] =	sst lr;
	_ =	strace $0xD0000000  }
0x3: {  	_ = 	snop  }
0x4: {  	_ = 	snop  }
0x5: {  	_ = 	snop  }
0x6: {  	_ = 	snop  }
0x7: {  	_ = 	snop  }
__scs_overlays_trampoline_lowered:
0x8: {  	[smem:$0x3FA2] =	sst s0  }
0x9: {  	[smem:$0x3FA3] =	sst s1  }
0xa: {  	[smem:$0x3FA4] =	sst s2  }
0xb: {  	[smem:$0x3FA5] =	sst s3  }
0xc: {  	[smem:$0x3FA6] =	sst s4  }
0xd: {  	[smem:$0x3FA7] =	sst s5  }
0xe: {  	[smem:$0x3FA8] =	sst s6  }
0xf: {  	[smem:$0x3FA9] =	sst s7  }
0x10: {  	[smem:$0x3FAA] =	sst s8  }
0x11: {  	[smem:$0x3FAB] =	sst s9;
	s0 =	simm.s32 @!p0 $0x0  }
0x12: {  	s1 =	sld [smem:$0x3F91];
	s0 =	simm.s32 @p0 $0x1  }
0x13: {  	[smem:$0x3FAC] =	sst s0;
	s0 =	simm.s32 @!p1 $0x0  }
0x14: {  	s2 =	sld [smem:$0x3F90];
	s0 =	simm.s32 @p1 $0x1  }
0x15: {  	[smem:$0x3FAD] =	sst s0;
	s0 =	simm.s32 @!p2 $0x0  }
0x16: {  	s3 =	sld [smem:$0x3FDB];
	s0 =	simm.s32 @p2 $0x1  }
0x17: {  	s4 =	simm.s32 $0x1BF5;
	[smem:$0x3FAF] =	sst s0  }
0x18: {  	s0 =	sld [smem:$0x3F92];
	_ =	swait.ge [sflag:s4], $0x0  }
0x19: {  	s7 =	sld [smem:$0x3F93]  }
0x1a: {  	s8 =	sadd.s32 $0xFFFFE003, lr  }
0x1b: {  	s9 =	sadd.s32 $0xFFFFFEF7, lr;
	s5 =	simm.s32 $0xFFFFFFFF;
	p2 =	slt.u32 s8, $0xFFFFF086  }
0x1c: {  	p1 =	slt.u32 s9, $0xF7A;
	s5 =	simm.s32 @!p2 $0x0  }
0x1d: {  	s5 =	simm.s32 @p1 $0x1;
	p0 =	seq.s32 s7, s2  }
0x1e: {  	s7 =	smul.u32 @!p0 $0xF7A, s2;
	p2 =	seq.s32 @!p0 s5, $0x0  }
0x1f: {  	s9 =	smul.u32 $0xF7A, s1;
	s8 =	simm.s32 @!p0 $0x1BF5;
	p2 =	por !p2, p0  }
0x20: {  	[sflag:s8] =	ssyncset.s32 @!p0 $0xFFFFF086;
	s6 =	sadd.s32 @!p0 s3, s7;
	s7 =	simm.s32 @!p0 $0x108  }
0x21: {  	s3 =	sadd.s32 s3, s9;
	s6 =	sadd.s32 @!p0 $0x88, s6;
	s7 =	simm.s32 @p2 $0x1082  }
0x22: {  	[simem:s7], [sflag:s8] =	dma.local @!p0 [hbm:s6], $0xF7A  }
0x23: {  	s9 =	sor.u32 $0xD0000000, s2;
	s6 =	simm.s32 $0x108;
	_ =	swait.ge @!p0 [sflag:s8], $0x0  }
0x24: {  	s3 =	sadd.s32 $0x88, s3;
	s6 =	simm.s32 @!p1 $0x1082;
	[sflag:s4] =	ssyncset.s32 $0xFFFFF086  }
0x25: {  	[simem:s6], [sflag:s4] =	dma.local [hbm:s3], $0xF7A  }
0x26: {  	[smem:$0x3F93] =	sst s1;
	(tag) =	ssettag s2;
	_ =	strace s9  }
0x27: {  	s1 =	sld [smem:$0x3FA3]  }
0x28: {  	s2 =	sld [smem:$0x3FA4]  }
0x29: {  	s4 =	sld [smem:$0x3FA6]  }
0x2a: {  	p0 =	seq.s32 s5, $0x0;
	s5 =	sld [smem:$0x3FA7]  }
0x2b: {  	s6 =	sld [smem:$0x3FA8]  }
0x2c: {  	s7 =	sld [smem:$0x3FA9]  }
0x2d: {  	s3 =	simm.s32 $0x108;
	s8 =	sld [smem:$0x3FAA]  }
0x2e: {  	s3 =	simm.s32 @!p0 $0x1082;
	s9 =	sld [smem:$0x3FAB]  }
0x2f: {  	lr =	sadd.s32 s0, s3;
	s0 =	sld [smem:$0x3FA2]  }
0x30: {  	s3 =	sld [smem:$0x3FA5]  }
0x31: {  	[smem:$0x3FAE] =	sst s10  }
0x32: {  	s10 =	sld [smem:$0x3FAC];
	_ =	sdelay $0x3  }
0x33: {  	p0 =	seq.s32 s10, $0x1;
	s10 =	sld [smem:$0x3FAE];
	_ =	sdelay $0x3  }
0x34: {  	[smem:$0x3FAE] =	sst s10  }
0x35: {  	s10 =	sld [smem:$0x3FAD];
	_ =	sdelay $0x3  }
0x36: {  	p1 =	seq.s32 s10, $0x1;
	s10 =	sld [smem:$0x3FAE];
	_ =	sdelay $0x3  }
0x37: {  	[smem:$0x3FAE] =	sst s10  }
0x38: {  	s10 =	sld [smem:$0x3FAF]  }
0x39: {  	_ = 	snop;
	(pc) =	sbr.ind lr, $3  }
0x3a: {  	_ = 	snop  }
0x3b: {  	_ = 	snop  }
0x3c: {  	p2 =	seq.s32 s10, $0x1;
	s10 =	sld [smem:$0x3FAE]  }
0x3d: {  	_ =	shalt  }
0x3e: {  	_ =	shalt  }
0x3f: {  	_ =	shalt  }
0x40: {  	_ =	shalt  }
0x41: {  	_ =	shalt  }
0x42: {  	_ =	shalt  }
0x43: {  	_ =	shalt  }
0x44: {  	_ =	shalt  }
0x45: {  	_ =	shalt  }
0x46: {  	_ =	shalt  }
0x47: {  	_ =	shalt  }
0x48: {  	_ =	shalt  }
0x49: {  	_ =	shalt  }
0x4a: {  	_ =	shalt  }
0x4b: {  	_ =	shalt  }
0x4c: {  	_ =	shalt  }
0x4d: {  	_ =	shalt  }
0x4e: {  	_ =	shalt  }
0x4f: {  	_ =	shalt  }
0x50: {  	_ =	shalt  }
0x51: {  	_ =	shalt  }
0x52: {  	_ =	shalt  }
0x53: {  	_ =	shalt  }
0x54: {  	_ =	shalt  }
0x55: {  	_ =	shalt  }
0x56: {  	_ =	shalt  }
0x57: {  	_ =	shalt  }
0x58: {  	_ =	shalt  }
0x59: {  	_ =	shalt  }
0x5a: {  	_ =	shalt  }
0x5b: {  	_ =	shalt  }
0x5c: {  	_ =	shalt  }
0x5d: {  	_ =	shalt  }
0x5e: {  	_ =	shalt  }
0x5f: {  	_ =	shalt  }
0x60: {  	_ =	shalt  }
0x61: {  	_ =	shalt  }
0x62: {  	_ =	shalt  }
0x63: {  	_ =	shalt  }
0x64: {  	_ =	shalt  }
0x65: {  	_ =	shalt  }
0x66: {  	_ =	shalt  }
0x67: {  	_ =	shalt  }
0x68: {  	_ =	shalt  }
0x69: {  	_ =	shalt  }
0x6a: {  	_ =	shalt  }
0x6b: {  	_ =	shalt  }
0x6c: {  	_ =	shalt  }
0x6d: {  	_ =	shalt  }
0x6e: {  	_ =	shalt  }
0x6f: {  	_ =	shalt  }
0x70: {  	_ =	shalt  }
0x71: {  	_ =	shalt  }
0x72: {  	_ =	shalt  }
0x73: {  	_ =	shalt  }
0x74: {  	_ =	shalt  }
0x75: {  	_ =	shalt  }
0x76: {  	_ =	shalt  }
0x77: {  	_ =	shalt  }
0x78: {  	_ =	shalt  }
0x79: {  	_ =	shalt  }
0x7a: {  	_ =	shalt  }
0x7b: {  	_ =	shalt  }
0x7c: {  	_ =	shalt  }
0x7d: {  	_ =	shalt  }
0x7e: {  	_ =	shalt  }
0x7f: {  	_ =	shalt  }
0x80: {  	_ =	shalt  }
0x81: {  	_ =	shalt  }
0x82: {  	_ =	shalt  }
0x83: {  	_ =	shalt  }
0x84: {  	_ =	shalt  }
0x85: {  	_ =	shalt  }
0x86: {  	_ =	shalt  }
0x87: {  	_ =	shalt  }
.Lfunc_end0:
.L_simem_size_0:
called_computation_lowered:
.L_overlay_start_0:
0x88: {  	s2 =	sld [smem:$0x3FD9]  }
0x89: {  	s3 =	sld [smem:$0x3FFE];
	_ =	sdelay $0x1  }
0x8a: {  	s1 =	srdreg.scid  }
0x8b: {  	s0 =	sand.u32 $0x1, s1  }
0x8c: {  	s16 =	sshll.u32 s0, $0xA;
	s2 =	sadd.s32 s3, s2  }
0x8d: {  	s2 =	sadd.s32 s2, s16  }
0x8e: {  	[smem:$0x3FBA] =	sst s2  }
0x8f: {  	_ = 	snop  }
0x90: {  	(tm) =	ssettm $0x1  }
0x91: {  	s17 =	sld [smem:$0x3FFB];
	_ =	sdelay $0x3  }
0x92: {  	_ =	strace s17  }
0x93: {  	s2 =	sld [smem:$0x3FFC];
	_ =	sdelay $0x3  }
0x94: {  	_ =	strace s2  }
0x95: {  	s2 =	sld [smem:$0x3FFD];
	_ =	sdelay $0x3  }
0x96: {  	_ =	strace s2  }
0x97: {  	_ =	strace $0x8FFFFFFF  }
0x98: {  	s18 =	sld [smem:$0x3FDB];
	_ =	sdelay $0x1  }
0x99: {  	s19 =	simm.s32 $_scs_section_size  }
0x9a: {  	s4 =	simm.s32 $_size__tile_overlayer_lowered;
	s5 =	simm.s32 $_tile_overlayer_lowered  }
0x9b: {  	s22 =	simm.s32 $0x1BFF;
	s21 =	sshll.u32 s5, $0x1;
	s2 =	sadd.s32 s19, s18  }
0x9c: {  	s6 =	simm.s32 $0x0;
	s20 =	sshll.u32 s4, $0x1;
	s4 =	sadd.s32 s21, s2  }
0x9d: {  	[timem:s6], [sflag:s22] =	dma.local [hbm:s4], s20  }
0x9e: {  	_ =	swait.ge [sflag:s22], s20  }
0x9f: {  	s3 =	ssub.s32 $0x0, s20;
	[sflag:s22] =	ssyncset.done $0x0  }
0xa0: {  	[sflag:s22] =	ssyncadd.s32 s3;
	_ =	sdelay $0x1  }
0xa1: {  	s23 =	simm.s32 $0x1B8B  }
0xa2: {  	_ =	swait.ge [sflag:s23], $0x1  }
0xa3: {  	[sflag:s23] =	ssyncset.done $0x0  }
0xa4: {  	s25 =	simm.s32 $0x1B8E;
	s24 =	sld [smem:$0x3FFE];
	[sflag:s23] =	ssyncadd.s32 $0xFFFFFFFF  }
0xa5: {  	s26 =	simm.s32 $execute0_lowered;
	[smem:$0x3FD2] =	sst s25  }
0xa6: {  	s4 =	sshll.u32 s26, $0x1;
	_ =	strace $0x80000046;
	[dreg:$0x1] =	wrdreg $0xFFFFFFFF  }
0xa7: {  	s28 =	simm.s32 $_size_execute0_lowered;
	s2 =	sadd.s32 s2, s4;
	[dreg:$0x0] =	wrdreg $0x0  }
0xa8: {  	s4 =	sshll.u32 s28, $0x1;
	[dreg:$0x2] =	wrdreg s2  }
0xa9: {  	[dreg:$0x3] =	wrdreg s4  }
0xaa: {  	[dreg:$0x4] =	wrdreg $0xC0  }
0xab: {  	_ =	task [dreg:s6], $0x5FFFF  }
0xac: {  	[dreg:$0x1] =	wrdreg $0xFFFFFFFF  }
0xad: {  	[dreg:$0x0] =	wrdreg $0x60  }
0xae: {  	[dreg:$0x2] =	wrdreg s24  }
0xaf: {  	[dreg:$0x3] =	wrdreg $0x9  }
0xb0: {  	_ =	task.clear_ibuf [dreg:s6], $0x4FFFF;
	_ =	strace $0x90000046  }
0xb1: {  	s29 =	simm.s32 $0x9;
	_ =	strace $0x80000048  }
0xb2: {  	_ =	swait.ge [sflag:s29], $0x1  }
0xb3: {  	[sflag:s29] =	ssyncadd.s32 $0xFFFFFFFF  }
0xb4: {  	_ =	strace $0x90000048  }
0xb5: {  	_ =	sfence  }
0xb6: {  	s30 =	sld [smem:$0x0];
	_ =	sdelay $0x2  }
0xb7: {  	s31 =	sshll.u32 s1, $0xD;
	s1 =	sshrl.u32 s1, $0x2  }
0xb8: {  	s3 =	sand.u32 $0x4000, s31;
	s1 =	sadd.s32 s1, s30  }
0xb9: {  	s0 =	sor.u32 s3, s0;
	s1 =	sshll.u32 s1, $0x11  }
0xba: {  	s0 =	sor.u32 s1, s0  }
0xbb: {  	s0 =	sadd.s32 $0x8F2B, s0  }
0xbc: {  	[sflag:s0] =	ssyncadd.remote.s32 $0x1  }
0xbd: {  	_ =	sfence.sel $0xFFFF  }
0xbe: {  	[dreg:$0x0] =	wrdreg $0xFFFFFFFF;
	(pc) =	sbr.abs _section_cstart, $3  }
0xbf: {  	[dreg:$0x1] =	wrdreg $0xFFFFFFFF  }
0xc0: {  	_ =	task.clear_ibuf [dreg:s6], $0x2FFFF;
	_ =	strace $0x9FFFFFFF  }
0xc1: {  	(tm) =	ssettm $0x7FFFFFFF  }
tec
execute0_lowered:
.L_overlay_start_1:
0x0: {  	(tag) =	ssettag $0x1  }
0x1: {  	s3 =	rddreg [dreg:$0x0];
	s1 =	stileid.u32  }
0x2: {  	s0 =	rddreg [dreg:$0x1];
	s4 =	srdreg.scid;
	s2 =	simm.s32 $0x0  }
0x3: {  	s8 =	simm.s32 $0x1;
	s9 =	simm.s32 $0x8000;
	s5 =	sshll.u32 s1, $0x1  }
0x4: {  	s10 =	simm.s32 $0x0;
	s4 =	sand.u32 $0x1, s4;
	s5 =	sand.u32 $0x6, s5  }
0x5: {  	[smem:$0x7FF] =	sst s2;
	s6 =	sshrl.u32 s1, $0x2;
	s5 =	sor.u32 s4, s5  }
0x6: {  	s7 =	sshll.u32 s6, $0x12;
	s6 =	sshll.u32 s6, $0xE;
	s5 =	sshll.u32 s5, $0xB  }
0x7: {  	_ =	strace $0x80000047;
	s4 =	ssub.s32 $0x2, s4;
	s7 =	sor.u32 s7, s5  }
0x8: {  	s30 =	sshrl.u32 s4, $0x1;
	s5 =	sor.u32 s6, s5;
	s29 =	sshrl.u32 s7, $0x3  }
0x9: {  	s31 =	ssub.s32 s4, s30;
	s5 =	sshrl.u32 s5, $0x3;
	s6 =	sadd.s32 s29, s3  }
0xa: {  	s7 =	simm.s32 $0x4000;
	s5 =	sadd.s32 s5, s3;
	s3 =	sadd.s32 $0x3800, s6  }
0xb: {  	v0 =	vimm.s32 $0x0;
	s4 =	sadd.s32 $0x23800, s5;
	s5 =	smax.u32 s31, $0x1;
	s6 =	simm.s32 $0x800  }
.LBB2_1:
0xc: {  	[tilespmem:s2], [sflag:$0x1] =	stream.strided.gather [hbm4b:s3+s6], $0x8000, s7, s6, $0x38;
	[tilespmem:$0x8800] =	vst v63  }
0xd: {  	_ =	swait.ge [sflag:s8], $0x8000  }
0xe: {  	[sflag:s8] =	ssyncset.done $0x0  }
0xf: {  	s11 =	simm.s32 $0x0;
	[sflag:s8] =	ssyncadd.s32 $0xFFFF8000  }
.LBB2_2:
0x10: {  	s12 =	sshll.u32 s11, $0x4  }
0x11: {  	s14 =	sand.u32 $0x70, s12  }
0x12: {  	v1 =	vmov s14  }
0x13: {  	s13 =	sshll.u32 s11, $0x7;
	s16 =	simm.s32 $0x0  }
0x14: {  	s15 =	sand.u32 $0x400, s13;
	s17 =	sand.u32 $0x7800, s16  }
0x15: {  	s18 =	sand.u32 $0x380, s16;
	s17 =	sor.u32 s17, s15  }
0x16: {  	s28 =	simm.s32 $0x100;
	s17 =	sadd.s32 s18, s17  }
0x17: {  	s29 =	simm.s32 $0x80;
	v5 =	vld.idx.msk [tilespmem:v1+s17+$0x0 ss:$0x1], $0xffff;
	s17 =	sand.u32 $0x7800, s28  }
0x18: {  	s18 =	sand.u32 $0x380, s29;
	s17 =	sor.u32 s17, s15  }
0x19: {  	s17 =	sadd.s32 s18, s17  }
0x1a: {  	v4 =	vld.idx.msk [tilespmem:v1+s17+$0x0 ss:$0x1], $0xffff  }
0x1b: {  	v2 =	vimm.f32 $-Inf  }
0x1c: {  	vm0 =	vgt.f32 v5, v2  }
0x1d: {  	s30 =	simm.s32 $0x200;
	v3 =	vimm.s32 $0x0;
	vm0 =	vmmov vm0  }
0x1e: {  	v18 =	vimm.s32 $0x0;
	s31 =	sand.u32 $0x7800, s30;
	s17 =	simm.s32 $0x100;
	v6 =	vsel vm0, v2, v5;
	v9 =	vsel vm0, v5, v2  }
0x1f: {  	s18 =	sor.u32 s31, s15;
	s19 =	sand.u32 $0x380, s17;
	vm3 =	vmmov vm0;
	vm2 =	vgt.f32 v6, v2;
	vm1 =	vgt.f32 v4, v9  }
0x20: {  	s18 =	sadd.s32 s19, s18;
	v11 =	vnsel vm3, s16, v3;
	v10 =	vsel vm3, s16, v3;
	v5 =	vsel vm2, v2, v6  }
0x21: {  	v13 =	vld.idx.msk [tilespmem:v1+s18+$0x0 ss:$0x1], $0xffff;
	v7 =	vsel vm2, v6, v2;
	v8 =	vsel vm2, v11, v3;
	vm0 =	vgt.f32 v5, v2  }
0x22: {  	vm1 =	vmmov vm1;
	v17 =	vsel vm2, v3, v11;
	v6 =	vsel vm0, v2, v5  }
0x23: {  	v11 =	vsel vm0, v5, v2;
	v12 =	vsel vm0, v3, v17;
	vm2 =	vgt.f32 v6, v2  }
0x24: {  	v5 =	vsel vm1, v4, v9;
	v15 =	vsel vm2, v2, v6;
	v16 =	vsel vm2, v3, v12  }
0x25: {  	v14 =	vsel vm2, v6, v2;
	v12 =	vsel vm2, v12, v3;
	vm3 =	vgt.f32 v15, v2  }
0x26: {  	s20 =	simm.s32 $0x300;
	vm2 =	vgt.f32 v13, v5;
	v6 =	vsel vm3, v16, v3;
	v20 =	vsel vm3, v2, v15  }
0x27: {  	s19 =	simm.s32 $0x3;
	s18 =	simm.s32 $0x1;
	s16 =	simm.s32 $0x2;
	v19 =	vsel vm3, v3, v16;
	v15 =	vsel vm3, v15, v2;
	vm3 =	vgt.f32 v20, v2;
	v16 =	vmovc v8  }
.LBB2_3:
0x28: {  	s21 =	sand.u32 $0x7800, s20;
	v21 =	vsel vm1, v9, v4  }
0x29: {  	p0 =	sne.s32 s19, $0x7F;
	s17 =	sadd.s32 $0x80, s17;
	v2 =	vsel vm3, v20, v2;
	v3 =	vsel vm3, v19, v3;
	v4 =	vmovc v13;
	v9 =	vmovc v5;
	vm3 =	vmmov vm1;
	s22 =	smov.u32 s19  }
0x2a: {  	s19 =	sadd.s32 $0x1, s19;
	v18 =	vsel vm0, v17, v18;
	s23 =	sand.u32 $0x380, s17;
	s21 =	sor.u32 s21, s15;
	v19 =	vnsel vm3, s18, v10;
	vm4 =	vgt.f32 v21, v7  }
0x2b: {  	s21 =	sadd.s32 s23, s21;
	v8 =	vsel vm4, v19, v8;
	v17 =	vsel vm4, v7, v21;
	v7 =	vsel vm4, v21, v7  }
0x2c: {  	vm1 =	vmmov vm2;
	v13 =	vld.idx.msk [tilespmem:v1+s21+$0x0 ss:$0x1], $0xffff;
	vm0 =	vgt.f32 v17, v11  }
0x2d: {  	v10 =	vsel vm3, s18, v10;
	s18 =	smov.u32 s16;
	s16 =	smov.u32 s22;
	v20 =	vsel vm0, v11, v17;
	v11 =	vsel vm0, v17, v11  }
.Ltmp0:
0x2e: {  	v5 =	vsel vm1, v4, v5;
	v17 =	vsel vm4, v16, v19;
	v16 =	vmovc v8;
	vm2 =	vgt.f32 v20, v14;
	(pc) =	sbr.rel @p0 .LBB2_3-.Ltmp0, $4  }
0x2f: {  	v19 =	vsel vm0, v18, v17;
	v21 =	vsel vm2, v14, v20;
	v14 =	vsel vm2, v20, v14  }
0x30: {  	v22 =	vsel vm2, v12, v19;
	v12 =	vsel vm2, v19, v12;
	vm3 =	vgt.f32 v21, v15  }
0x31: {  	v20 =	vsel vm3, v15, v21;
	v19 =	vsel vm3, v6, v22;
	v6 =	vsel vm3, v22, v6  }
0x32: {  	s20 =	sadd.s32 $0x100, s20;
	vm2 =	vgt.f32 v13, v5;
	v15 =	vsel vm3, v21, v15;
	vm3 =	vgt.f32 v20, v2  }
0x33: {  	v1 =	vsel vm1, v9, v4  }
0x34: {  	v2 =	vsel vm3, v20, v2;
	vm14 =	vmmov vm1;
	v3 =	vsel vm3, v19, v3  }
0x35: {  	v17 =	vsel vm0, v17, v18;
	vm2 =	vmmov vm2;
	vm4 =	vgt.f32 v1, v7  }
0x36: {  	v47 =	vnsel vm14, s18, v10;
	v50 =	vsel vm14, s18, v10;
	v5 =	vsel vm2, v5, v13  }
0x37: {  	vm2 =	vmmov vm2;
	v9 =	vsel vm4, v7, v1;
	v1 =	vsel vm4, v1, v7  }
0x38: {  	v48 =	vsel vm4, v47, v8;
	v4 =	vsel vm4, v16, v47;
	v58 =	vnsel vm2, s16, v50  }
0x39: {  	v59 =	vsel vm2, s16, v50;
	vm15 =	vgt.f32 v9, v11;
	vm10 =	vgt.f32 v5, v1  }
0x3a: {  	v49 =	vsel vm15, v11, v9;
	v9 =	vsel vm15, v9, v11;
	v51 =	vsel vm15, v17, v4  }
0x3b: {  	v1 =	vsel vm10, v1, v5;
	v4 =	vsel vm15, v4, v17;
	v60 =	vsel vm10, v58, v48  }
0x3c: {  	v5 =	vsel vm10, v48, v58;
	vm8 =	vgt.f32 v49, v14;
	vm12 =	vgt.f32 v1, v9  }
0x3d: {  	v52 =	vsel vm8, v14, v49;
	v8 =	vsel vm8, v49, v14;
	v53 =	vsel vm8, v12, v51  }
0x3e: {  	v11 =	vsel vm8, v51, v12;
	v1 =	vsel vm12, v9, v1;
	v61 =	vsel vm12, v4, v5  }
0x3f: {  	s14 =	sadd.s32 s14, s15;
	v4 =	vsel vm12, v5, v4;
	vm9 =	vgt.f32 v52, v15;
	vm13 =	vgt.f32 v1, v8  }
0x40: {  	[tilespmem:s14+$0x8300] =	vst v0;
	v54 =	vsel vm9, v53, v6;
	v55 =	vsel vm9, v15, v52;
	v56 =	vsel vm9, v6, v53  }
0x41: {  	s11 =	sadd.s32 $0x1, s11;
	[tilespmem:s14+$0x8000] =	vst v59;
	v57 =	vsel vm9, v52, v15;
	v1 =	vsel vm13, v8, v1;
	v62 =	vsel vm13, v61, v11  }
0x42: {  	p0 =	sne.s32 s11, $0x10;
	[tilespmem:s14+$0x8080] =	vst v60;
	v6 =	vsel vm13, v11, v61;
	vm11 =	vgt.f32 v55, v2;
	vm14 =	vgt.f32 v1, v57  }
.Ltmp1:
0x43: {  	[tilespmem:s14+$0x8100] =	vst v4;
	v2 =	vsel vm11, v55, v2;
	v3 =	vsel vm11, v56, v3;
	v1 =	vsel vm14, v57, v1;
	(pc) =	sbr.rel @p0 .LBB2_2-.Ltmp1, $4  }
0x44: {  	[tilespmem:s14+$0x8180] =	vst v62;
	v63 =	vsel vm14, v6, v54;
	v6 =	vsel vm14, v54, v6;
	vm15 =	vgt.f32 v1, v2  }
0x45: {  	s12 =	sor.u32 s13, s12;
	[tilespmem:s14+$0x8200] =	vst v63;
	v1 =	vsel vm15, v6, v3  }
0x46: {  	s12 =	sor.u32 $0x380, s12;
	[tilespmem:s14+$0x8280] =	vst v1  }
0x47: {  	[tilespmem:s12+$0x8000] =	vst v0  }
0x48: {  	s10 =	sadd.s32 $0x1, s10  }
0x49: {  	p0 =	sne.s32 s10, s5  }
.Ltmp2:
0x4a: {  	_ = 	snop;
	(pc) =	sbr.rel @p0 .LBB2_1-.Ltmp2, $4  }
0x4b: {  	[hbm4b:s4+s2] =	stream.linear.scatter [tilespmem:s9], [sflag:$0x1], $0x800, $0x38;
	[tilespmem:$0x8800] =	vst v63  }
0x4c: {  	_ =	swait.ge [sflag:s8], $0x800  }
0x4d: {  	[sflag:s8] =	ssyncset.done $0x0  }
0x4e: {  	[sflag:s8] =	ssyncadd.s32 $0xFFFFF800  }
0x4f: {  	_ =	sfence.sel $0x180000  }
0x50: {  	[bflag:$0x0] =	sbarrier.arrive $0xFFFF  }
0x51: {  	p0 =	sne.s32 s1, $0x0;
	_ =	strace $0x90000047  }
0x52: {  	s0 =	sadd.s32 @!p0 $0x100000, s0;
	[bflag:$0x2] =	sbarrier.arrive $0xFFFF  }
0x53: {  	[sflag:s0] =	ssyncadd.tile.s32 @!p0 $0x1;
	_ =	shalt  }
.Lfunc_end2:
_tile_overlayer_lowered:
.L_overlay_start_2:
0x54: {  	(tag) =	ssettag $0x2  }
0x55: {  	s0 =	rddreg [dreg:$0x0];
	s2 =	stileid.u32  }
0x56: {  	s1 =	rddreg [dreg:$0x1];
	p0 =	sne.s32 s2, $0x0  }
0x57: {  	s3 =	rddreg [dreg:$0x2];
	[bflag:$0x3] =	sbarrier.arrive $0xFFFF;
	s2 =	simm.s32 @!p0 $0x1C01  }
0x58: {  	[timem:s3], [sflag:s2] =	dma.local @!p0 [hbm:s0], s1  }
0x59: {  	s0 =	simm.s32 @!p0 $0x1  }
0x5a: {  	_ =	swait.ge @!p0 [sflag:s0], s1  }
0x5b: {  	s1 =	ssub.s32 @!p0 $0x0, s1;
	[sflag:s0] =	ssyncset.done @!p0 $0x0  }
0x5c: {  	[sflag:s0] =	ssyncadd.s32 @!p0 s1  }
0x5d: {  	[bflag:$0x3] =	sbarrier.arrive $0xFFFF  }
0x5e: {  	_ =	shalt  }

</sc_bundles>
